<compile_context>
chip_gen: v7x
topology: tpu7x:2x2x1
jax: 0.10.2.dev20260603
libtpu: 0.0.44.dev20260713+nightly
codegen_flags: <defaults>
</compile_context>

<pallas_src>
import functools

import jax
import jax.numpy as jnp
from jax import lax
from jax.experimental import pallas as pl
from jax.experimental.pallas import tpu as pltpu
from jax.experimental.pallas import tpu_sc as plsc

B, T, N, F = 16, 20, 50000, 2
H = 10
R = 64
RP = 128
NB = 4096
NSTEPS = (N + NB - 1) // NB
NPAD = NSTEPS * NB

_SC = plsc.get_sparse_core_info()
NC, NS, LANES = _SC.num_cores, _SC.num_subcores, _SC.num_lanes
NW = NC * NS
CH = NPAD // NW
assert CH * NW == NPAD and CH % 8 == 0 and NPAD % NB == 0


def _tc_kernel(x_ref, out_pred_ref, out_flat_ref):
    i = pl.program_id(0)

    wr = jax.lax.broadcasted_iota(jnp.int32, (B, B * T), 0)
    wc = jax.lax.broadcasted_iota(jnp.int32, (B, B * T), 1)
    w = jnp.where(wc // T == wr, 1.0 / T, 0.0)
    x = x_ref[...].reshape(B * T, NB)
    pred = jax.lax.dot_general(
        w, x, (((1,), (0,)), ((), ())),
        preferred_element_type=jnp.float32)

    node_idx = i * NB + jax.lax.broadcasted_iota(jnp.int32, (1, NB), 1)
    pred = jnp.where(node_idx < N, pred, 0.0)

    out_pred_ref[...] = jnp.broadcast_to(pred[None, :, :], (H, B, NB))
    out_flat_ref[...] = pred


_sc_mesh = plsc.VectorSubcoreMesh(core_axis_name="c", subcore_axis_name="s")


@functools.partial(
    pl.kernel,
    mesh=_sc_mesh,
    compiler_params=pltpu.CompilerParams(needs_layout_passes=False),
    out_type=[
        jax.ShapeDtypeStruct((NW, B + 1, R), jnp.float32),
    ],
    scratch_types=[
        pltpu.VMEM((CH,), jnp.int32),
        pltpu.VMEM((B, CH), jnp.float32),
        pltpu.VMEM((RP,), jnp.float32),
        pltpu.VMEM((B + 1, R), jnp.float32),
        pltpu.VMEM((RP,), jnp.float32),
    ],
)
def _sc_segment(pred_hbm, cid_hbm, sums_hbm,
                cid_v, val_v, bins_v, sums_v, cnt_v):
    c = lax.axis_index("c")
    s = lax.axis_index("s")
    wid = s * NC + c
    base = wid * CH
    zeros16 = jnp.zeros((LANES,), jnp.float32)
    ones16 = jnp.ones((LANES,), jnp.float32)

    pltpu.sync_copy(cid_hbm.at[pl.ds(base, CH)], cid_v)
    pltpu.sync_copy(pred_hbm.at[:, pl.ds(base, CH)], val_v)

    for k in range(RP // LANES):
        cnt_v[pl.ds(k * LANES, LANES)] = zeros16

    def _cnt_body(j, carry):
        idx = cid_v[pl.ds(j * LANES, LANES)]
        plsc.addupdate_scatter(cnt_v, [idx], ones16)
        return carry

    lax.fori_loop(0, CH // LANES, _cnt_body, 0)

    for b in range(B):
        for k in range(RP // LANES):
            bins_v[pl.ds(k * LANES, LANES)] = zeros16

        def _sum_body(j, carry):
            idx = cid_v[pl.ds(j * LANES, LANES)]
            vals = val_v[b, pl.ds(j * LANES, LANES)]
            plsc.addupdate_scatter(bins_v, [idx], vals)
            return carry

        lax.fori_loop(0, CH // LANES, _sum_body, 0)
        for k in range(R // LANES):
            sums_v[b, pl.ds(k * LANES, LANES)] = bins_v[pl.ds(k * LANES, LANES)]

    for k in range(R // LANES):
        sums_v[B, pl.ds(k * LANES, LANES)] = cnt_v[pl.ds(k * LANES, LANES)]

    pltpu.sync_copy(sums_v, sums_hbm.at[wid])


def kernel(speed_seq, cluster_id):
    x0 = speed_seq[:, :, :, 0]
    cid = cluster_id.astype(jnp.int32)
    cid_pad = jnp.concatenate([cid, jnp.full((NPAD - N,), R, dtype=jnp.int32)])

    pred_speed, pred_flat = pl.pallas_call(
        _tc_kernel,
        grid=(NSTEPS,),
        in_specs=[pl.BlockSpec((B, T, NB), lambda i: (0, 0, i))],
        out_specs=[
            pl.BlockSpec((H, B, NB), lambda i: (0, 0, i)),
            pl.BlockSpec((B, NB), lambda i: (0, i)),
        ],
        out_shape=[
            jax.ShapeDtypeStruct((H, B, N), jnp.float32),
            jax.ShapeDtypeStruct((B, NPAD), jnp.float32),
        ],
    )(x0)

    (partials,) = _sc_segment(pred_flat, cid_pad)
    combined = partials.sum(axis=0)
    regional = combined[:B] / combined[B][None, :]
    pred_speed_regional = jnp.broadcast_to(regional[:, None, :], (B, H, R))
    return pred_speed.transpose(1, 0, 2), pred_speed_regional

# --- scband reference (transcript-rebuilt; emitter-appended) ---
"""Pipeline reference for scband-trivial-model-38517266711057 (READ-ONLY COPY).

The authoritative reference and input builder live on the scoring server;
editing this copy changes nothing except your own understanding.
"""

import jax, jax.numpy as jnp
import numpy as np

NUM_REGIONS = 64

def setup_inputs(seed: int = 0) -> dict:
    key = jax.random.key(seed)
    k1, k2 = jax.random.split(key)
    speed_seq = jax.random.normal(k1, (16, 20, 50000, 2), dtype=jnp.float32)
    cluster_id = jnp.sort(jax.random.randint(k2, (50000,), 0, NUM_REGIONS, dtype=jnp.int64))
    return {"speed_seq": speed_seq, "cluster_id": cluster_id}

def reference(speed_seq, cluster_id):
    # fun_type == 'avg' branch of TrivialModel.forward
    # pred_speed = mean over time of feature 0, tiled to horizon 10: [B,10,N]
    pred = jnp.mean(speed_seq[..., 0], axis=1, keepdims=True)  # [B,1,N]
    pred_speed = jnp.tile(pred, (1, 10, 1))  # [B,10,N]
    # regional mean: for each region id, mean of pred_speed over nodes in that region.
    # Equivalent to a segment-mean over the node axis (all 64 region ids present whp).
    ps_t = jnp.transpose(pred_speed, (2, 0, 1))  # [N,B,10]
    seg_sum = jax.ops.segment_sum(ps_t, cluster_id, num_segments=NUM_REGIONS)  # [R,B,10]
    counts = jax.ops.segment_sum(jnp.ones((cluster_id.shape[0],), dtype=jnp.float32), cluster_id, num_segments=NUM_REGIONS)  # [R]
    regional = seg_sum / counts[:, None, None]  # [R,B,10]
    pred_speed_regional = jnp.transpose(regional, (1, 2, 0))  # [B,10,R]
    return pred_speed, pred_speed_regional

if __name__ == "__main__":
    import jax
    _d = setup_inputs()
    print(jax.jit(kernel)(*tuple(_d.values())))

</pallas_src>

<mosaic_0001>
#map = affine_map<(d0, d1) -> (0, 0)>
#map1 = affine_map<(d0, d1) -> (0)>
#map2 = affine_map<(d0, d1) -> (0, 0, 0)>
module attributes {stable_mosaic.version = 14 : i64} {
  func.func @_sc_segment(%arg0: i32, %arg1: i32, %arg2: memref<16x53248xf32, #tpu.memory_space<hbm>>, %arg3: memref<53248xi32, #tpu.memory_space<hbm>>, %arg4: memref<32x17x64xf32, #tpu.memory_space<hbm>>, %arg5: memref<1664xi32, #tpu.memory_space<vmem>>, %arg6: memref<16x1664xf32, #tpu.memory_space<vmem>>, %arg7: memref<128xf32, #tpu.memory_space<vmem>>, %arg8: memref<17x64xf32, #tpu.memory_space<vmem>>, %arg9: memref<128xf32, #tpu.memory_space<vmem>>) attributes {dimension_semantics = [#tpu.dimension_semantics<core_parallel>, #tpu.dimension_semantics<subcore_parallel>], iteration_bounds = array<i64: 2, 16>, scalar_prefetch = 0 : i64, scratch_operands = 5 : i64, tpu.core_type = #tpu.core_type<sc_vector_subcore>, window_params = [{transform_indices = #map}, {transform_indices = #map1}, {transform_indices = #map2}]} {
    %mul3A = arith.constant 2 : i32
    %mul3A_0 = arith.muli %arg1, %mul3A : i32
    %add3A = arith.addi %mul3A_0, %arg0 : i32
    %mul3A_1 = arith.constant 1664 : i32
    %mul3A_2 = arith.muli %add3A, %mul3A_1 : i32
    %broadcast_in_dim3A = arith.constant 0.000000e+00 : f32
    %broadcast_in_dim3A_3 = vector.broadcast %broadcast_in_dim3A : f32 to vector<16xf32>
    %broadcast_in_dim3A_4 = arith.constant 1.000000e+00 : f32
    %broadcast_in_dim3A_5 = vector.broadcast %broadcast_in_dim3A_4 : f32 to vector<16xf32>
    "tpu.region"() ({
      %run_scoped3A = tpu.sem_alloc : memref<!tpu.dma_semaphore, #tpu.memory_space<semaphore_mem>>
      %dma_start3A = tpu.memref_slice %arg3[%mul3A_2] : memref<53248xi32, #tpu.memory_space<hbm>> -> memref<1664xi32, #tpu.memory_space<hbm>>
      %dma_start3A_785 = tpu.memref_slice %arg3[%mul3A_2] : memref<53248xi32, #tpu.memory_space<hbm>> -> memref<1664xi32, #tpu.memory_space<hbm>>
      tpu.enqueue_dma source(%dma_start3A_785 : memref<1664xi32, #tpu.memory_space<hbm>>) target(%arg5 : memref<1664xi32, #tpu.memory_space<vmem>>) target_semaphore(%run_scoped3A : memref<!tpu.dma_semaphore, #tpu.memory_space<semaphore_mem>>)
      %dma_wait3A = tpu.memref_slice %arg3[%mul3A_2] : memref<53248xi32, #tpu.memory_space<hbm>> -> memref<1664xi32, #tpu.memory_space<hbm>>
      %dma_wait3A_786 = tpu.memref_slice %arg3[%mul3A_2] : memref<53248xi32, #tpu.memory_space<hbm>> -> memref<1664xi32, #tpu.memory_space<hbm>>
      tpu.wait_dma2 semaphore(%run_scoped3A : memref<!tpu.dma_semaphore, #tpu.memory_space<semaphore_mem>>) src(%dma_wait3A_786 : memref<1664xi32, #tpu.memory_space<hbm>>) dst(%arg5 : memref<1664xi32, #tpu.memory_space<vmem>>)
      tpu.yield
    }) : () -> ()
    "tpu.region"() ({
      %run_scoped3A = tpu.sem_alloc : memref<!tpu.dma_semaphore, #tpu.memory_space<semaphore_mem>>
      %dma_start3A = arith.constant 0 : i32
      %dma_start3A_785 = tpu.memref_slice %arg2[%dma_start3A, %mul3A_2] : memref<16x53248xf32, #tpu.memory_space<hbm>> -> memref<16x1664xf32, #tpu.memory_space<hbm>>
      %dma_start3A_786 = arith.constant 0 : i32
      %dma_start3A_787 = tpu.memref_slice %arg2[%dma_start3A_786, %mul3A_2] : memref<16x53248xf32, #tpu.memory_space<hbm>> -> memref<16x1664xf32, #tpu.memory_space<hbm>>
      tpu.enqueue_dma source(%dma_start3A_787 : memref<16x1664xf32, #tpu.memory_space<hbm>>) target(%arg6 : memref<16x1664xf32, #tpu.memory_space<vmem>>) target_semaphore(%run_scoped3A : memref<!tpu.dma_semaphore, #tpu.memory_space<semaphore_mem>>)
      %dma_wait3A = arith.constant 0 : i32
      %dma_wait3A_788 = tpu.memref_slice %arg2[%dma_wait3A, %mul3A_2] : memref<16x53248xf32, #tpu.memory_space<hbm>> -> memref<16x1664xf32, #tpu.memory_space<hbm>>
      %dma_wait3A_789 = arith.constant 0 : i32
      %dma_wait3A_790 = tpu.memref_slice %arg2[%dma_wait3A_789, %mul3A_2] : memref<16x53248xf32, #tpu.memory_space<hbm>> -> memref<16x1664xf32, #tpu.memory_space<hbm>>
      tpu.wait_dma2 semaphore(%run_scoped3A : memref<!tpu.dma_semaphore, #tpu.memory_space<semaphore_mem>>) src(%dma_wait3A_790 : memref<16x1664xf32, #tpu.memory_space<hbm>>) dst(%arg6 : memref<16x1664xf32, #tpu.memory_space<vmem>>)
      tpu.yield
    }) : () -> ()
    %swap3A = arith.constant 0 : index
    %swap3A_6 = tpu.vector_load %arg9[%swap3A] {strides = array<i32>} : memref<128xf32, #tpu.memory_space<vmem>>, vector<16xf32>,
    tpu.vector_store %arg9[%swap3A], %broadcast_in_dim3A_3 {strides = array<i32>} : memref<128xf32, #tpu.memory_space<vmem>>, vector<16xf32>,
    %swap3A_7 = arith.constant 16 : index
    %swap3A_8 = tpu.vector_load %arg9[%swap3A_7] {strides = array<i32>} : memref<128xf32, #tpu.memory_space<vmem>>, vector<16xf32>,
    tpu.vector_store %arg9[%swap3A_7], %broadcast_in_dim3A_3 {strides = array<i32>} : memref<128xf32, #tpu.memory_space<vmem>>, vector<16xf32>,
    %swap3A_9 = arith.constant 32 : index
    %swap3A_10 = tpu.vector_load %arg9[%swap3A_9] {strides = array<i32>} : memref<128xf32, #tpu.memory_space<vmem>>, vector<16xf32>,
    tpu.vector_store %arg9[%swap3A_9], %broadcast_in_dim3A_3 {strides = array<i32>} : memref<128xf32, #tpu.memory_space<vmem>>, vector<16xf32>,
    %swap3A_11 = arith.constant 48 : index
    %swap3A_12 = tpu.vector_load %arg9[%swap3A_11] {strides = array<i32>} : memref<128xf32, #tpu.memory_space<vmem>>, vector<16xf32>,
    tpu.vector_store %arg9[%swap3A_11], %broadcast_in_dim3A_3 {strides = array<i32>} : memref<128xf32, #tpu.memory_space<vmem>>, vector<16xf32>,
    %swap3A_13 = arith.constant 64 : index
    %swap3A_14 = tpu.vector_load %arg9[%swap3A_13] {strides = array<i32>} : memref<128xf32, #tpu.memory_space<vmem>>, vector<16xf32>,
    tpu.vector_store %arg9[%swap3A_13], %broadcast_in_dim3A_3 {strides = array<i32>} : memref<128xf32, #tpu.memory_space<vmem>>, vector<16xf32>,
    %swap3A_15 = arith.constant 80 : index
    %swap3A_16 = tpu.vector_load %arg9[%swap3A_15] {strides = array<i32>} : memref<128xf32, #tpu.memory_space<vmem>>, vector<16xf32>,
    tpu.vector_store %arg9[%swap3A_15], %broadcast_in_dim3A_3 {strides = array<i32>} : memref<128xf32, #tpu.memory_space<vmem>>, vector<16xf32>,
    %swap3A_17 = arith.constant 96 : index
    %swap3A_18 = tpu.vector_load %arg9[%swap3A_17] {strides = array<i32>} : memref<128xf32, #tpu.memory_space<vmem>>, vector<16xf32>,
    tpu.vector_store %arg9[%swap3A_17], %broadcast_in_dim3A_3 {strides = array<i32>} : memref<128xf32, #tpu.memory_space<vmem>>, vector<16xf32>,
    %swap3A_19 = arith.constant 112 : index
    %swap3A_20 = tpu.vector_load %arg9[%swap3A_19] {strides = array<i32>} : memref<128xf32, #tpu.memory_space<vmem>>, vector<16xf32>,
    tpu.vector_store %arg9[%swap3A_19], %broadcast_in_dim3A_3 {strides = array<i32>} : memref<128xf32, #tpu.memory_space<vmem>>, vector<16xf32>,
    %scan3A = arith.constant 0 : i32
    %scan3A_21 = arith.constant 0 : i32
    %scan3A_22 = arith.constant 104 : i32
    %scan3A_23 = arith.addi %scan3A_21, %scan3A_22 : i32
    %scan3A_24 = arith.constant 1 : i32
    scf.for %scan3A_785 = %scan3A_21 to %scan3A_23 step %scan3A_24  : i32 {
      %mul3A_786 = arith.constant 16 : i32
      %mul3A_787 = arith.muli %scan3A_785, %mul3A_786 : i32
      %get3A_788 = arith.index_cast %mul3A_787 : i32 to index
      %get3A_789 = tpu.vector_load %arg5[%get3A_788] {strides = array<i32>} : memref<1664xi32, #tpu.memory_space<vmem>>, vector<16xi32>,
      tpu.vector_store_idx %arg9[%get3A_789], %broadcast_in_dim3A_5 {add = true} : memref<128xf32, #tpu.memory_space<vmem>>[vector<16xi32>], vector<16xf32>,
    }
    %scan3A_25 = arith.constant 104 : i32
    %swap3A_26 = arith.constant 0 : index
    %swap3A_27 = tpu.vector_load %arg7[%swap3A_26] {strides = array<i32>} : memref<128xf32, #tpu.memory_space<vmem>>, vector<16xf32>,
    tpu.vector_store %arg7[%swap3A_26], %broadcast_in_dim3A_3 {strides = array<i32>} : memref<128xf32, #tpu.memory_space<vmem>>, vector<16xf32>,
    %swap3A_28 = arith.constant 16 : index
    %swap3A_29 = tpu.vector_load %arg7[%swap3A_28] {strides = array<i32>} : memref<128xf32, #tpu.memory_space<vmem>>, vector<16xf32>,
    tpu.vector_store %arg7[%swap3A_28], %broadcast_in_dim3A_3 {strides = array<i32>} : memref<128xf32, #tpu.memory_space<vmem>>, vector<16xf32>,
    %swap3A_30 = arith.constant 32 : index
    %swap3A_31 = tpu.vector_load %arg7[%swap3A_30] {strides = array<i32>} : memref<128xf32, #tpu.memory_space<vmem>>, vector<16xf32>,
    tpu.vector_store %arg7[%swap3A_30], %broadcast_in_dim3A_3 {strides = array<i32>} : memref<128xf32, #tpu.memory_space<vmem>>, vector<16xf32>,
    %swap3A_32 = arith.constant 48 : index
    %swap3A_33 = tpu.vector_load %arg7[%swap3A_32] {strides = array<i32>} : memref<128xf32, #tpu.memory_space<vmem>>, vector<16xf32>,
    tpu.vector_store %arg7[%swap3A_32], %broadcast_in_dim3A_3 {strides = array<i32>} : memref<128xf32, #tpu.memory_space<vmem>>, vector<16xf32>,
    %swap3A_34 = arith.constant 64 : index
    %swap3A_35 = tpu.vector_load %arg7[%swap3A_34] {strides = array<i32>} : memref<128xf32, #tpu.memory_space<vmem>>, vector<16xf32>,
    tpu.vector_store %arg7[%swap3A_34], %broadcast_in_dim3A_3 {strides = array<i32>} : memref<128xf32, #tpu.memory_space<vmem>>, vector<16xf32>,
    %swap3A_36 = arith.constant 80 : index
    %swap3A_37 = tpu.vector_load %arg7[%swap3A_36] {strides = array<i32>} : memref<128xf32, #tpu.memory_space<vmem>>, vector<16xf32>,
    tpu.vector_store %arg7[%swap3A_36], %broadcast_in_dim3A_3 {strides = array<i32>} : memref<128xf32, #tpu.memory_space<vmem>>, vector<16xf32>,
    %swap3A_38 = arith.constant 96 : index
    %swap3A_39 = tpu.vector_load %arg7[%swap3A_38] {strides = array<i32>} : memref<128xf32, #tpu.memory_space<vmem>>, vector<16xf32>,
    tpu.vector_store %arg7[%swap3A_38], %broadcast_in_dim3A_3 {strides = array<i32>} : memref<128xf32, #tpu.memory_space<vmem>>, vector<16xf32>,
    %swap3A_40 = arith.constant 112 : index
    %swap3A_41 = tpu.vector_load %arg7[%swap3A_40] {strides = array<i32>} : memref<128xf32, #tpu.memory_space<vmem>>, vector<16xf32>,
    tpu.vector_store %arg7[%swap3A_40], %broadcast_in_dim3A_3 {strides = array<i32>} : memref<128xf32, #tpu.memory_space<vmem>>, vector<16xf32>,
    %scan3A_42 = arith.constant 0 : i32
    %scan3A_43 = arith.constant 0 : i32
    %scan3A_44 = arith.constant 104 : i32
    %scan3A_45 = arith.addi %scan3A_43, %scan3A_44 : i32
    %scan3A_46 = arith.constant 1 : i32
    scf.for %scan3A_785 = %scan3A_43 to %scan3A_45 step %scan3A_46  : i32 {
      %mul3A_786 = arith.constant 16 : i32
      %mul3A_787 = arith.muli %scan3A_785, %mul3A_786 : i32
      %get3A_788 = arith.index_cast %mul3A_787 : i32 to index
      %get3A_789 = tpu.vector_load %arg5[%get3A_788] {strides = array<i32>} : memref<1664xi32, #tpu.memory_space<vmem>>, vector<16xi32>,
      %mul3A_790 = arith.constant 16 : i32
      %mul3A_791 = arith.muli %scan3A_785, %mul3A_790 : i32
      %get3A_792 = arith.constant 0 : i32
      %get3A_793 = arith.index_cast %get3A_792 : i32 to index
      %get3A_794 = arith.index_cast %mul3A_791 : i32 to index
      %get3A_795 = tpu.vector_load %arg6[%get3A_793, %get3A_794] {strides = array<i32>} : memref<16x1664xf32, #tpu.memory_space<vmem>>, vector<16xf32>,
      tpu.vector_store_idx %arg7[%get3A_789], %get3A_795 {add = true} : memref<128xf32, #tpu.memory_space<vmem>>[vector<16xi32>], vector<16xf32>,
    }
    %scan3A_47 = arith.constant 104 : i32
    %get3A = arith.constant 0 : index
    %get3A_48 = tpu.vector_load %arg7[%get3A] {strides = array<i32>} : memref<128xf32, #tpu.memory_space<vmem>>, vector<16xf32>,
    %swap3A_49 = arith.constant 0 : i32
    %swap3A_50 = arith.index_cast %swap3A_49 : i32 to index
    %swap3A_51 = arith.constant 0 : index
    %swap3A_52 = tpu.vector_load %arg8[%swap3A_50, %swap3A_51] {strides = array<i32>} : memref<17x64xf32, #tpu.memory_space<vmem>>, vector<16xf32>,
    tpu.vector_store %arg8[%swap3A_50, %swap3A_51], %get3A_48 {strides = array<i32>} : memref<17x64xf32, #tpu.memory_space<vmem>>, vector<16xf32>,
    %get3A_53 = arith.constant 16 : index
    %get3A_54 = tpu.vector_load %arg7[%get3A_53] {strides = array<i32>} : memref<128xf32, #tpu.memory_space<vmem>>, vector<16xf32>,
    %swap3A_55 = arith.constant 0 : i32
    %swap3A_56 = arith.index_cast %swap3A_55 : i32 to index
    %swap3A_57 = arith.constant 16 : index
    %swap3A_58 = tpu.vector_load %arg8[%swap3A_56, %swap3A_57] {strides = array<i32>} : memref<17x64xf32, #tpu.memory_space<vmem>>, vector<16xf32>,
    tpu.vector_store %arg8[%swap3A_56, %swap3A_57], %get3A_54 {strides = array<i32>} : memref<17x64xf32, #tpu.memory_space<vmem>>, vector<16xf32>,
    %get3A_59 = arith.constant 32 : index
    %get3A_60 = tpu.vector_load %arg7[%get3A_59] {strides = array<i32>} : memref<128xf32, #tpu.memory_space<vmem>>, vector<16xf32>,
    %swap3A_61 = arith.constant 0 : i32
    %swap3A_62 = arith.index_cast %swap3A_61 : i32 to index
    %swap3A_63 = arith.constant 32 : index
    %swap3A_64 = tpu.vector_load %arg8[%swap3A_62, %swap3A_63] {strides = array<i32>} : memref<17x64xf32, #tpu.memory_space<vmem>>, vector<16xf32>,
    tpu.vector_store %arg8[%swap3A_62, %swap3A_63], %get3A_60 {strides = array<i32>} : memref<17x64xf32, #tpu.memory_space<vmem>>, vector<16xf32>,
    %get3A_65 = arith.constant 48 : index
    %get3A_66 = tpu.vector_load %arg7[%get3A_65] {strides = array<i32>} : memref<128xf32, #tpu.memory_space<vmem>>, vector<16xf32>,
    %swap3A_67 = arith.constant 0 : i32
    %swap3A_68 = arith.index_cast %swap3A_67 : i32 to index
    %swap3A_69 = arith.constant 48 : index
    %swap3A_70 = tpu.vector_load %arg8[%swap3A_68, %swap3A_69] {strides = array<i32>} : memref<17x64xf32, #tpu.memory_space<vmem>>, vector<16xf32>,
    tpu.vector_store %arg8[%swap3A_68, %swap3A_69], %get3A_66 {strides = array<i32>} : memref<17x64xf32, #tpu.memory_space<vmem>>, vector<16xf32>,
    %swap3A_71 = arith.constant 0 : index
    %swap3A_72 = tpu.vector_load %arg7[%swap3A_71] {strides = array<i32>} : memref<128xf32, #tpu.memory_space<vmem>>, vector<16xf32>,
    tpu.vector_store %arg7[%swap3A_71], %broadcast_in_dim3A_3 {strides = array<i32>} : memref<128xf32, #tpu.memory_space<vmem>>, vector<16xf32>,
    %swap3A_73 = arith.constant 16 : index
    %swap3A_74 = tpu.vector_load %arg7[%swap3A_73] {strides = array<i32>} : memref<128xf32, #tpu.memory_space<vmem>>, vector<16xf32>,
    tpu.vector_store %arg7[%swap3A_73], %broadcast_in_dim3A_3 {strides = array<i32>} : memref<128xf32, #tpu.memory_space<vmem>>, vector<16xf32>,
    %swap3A_75 = arith.constant 32 : index
    %swap3A_76 = tpu.vector_load %arg7[%swap3A_75] {strides = array<i32>} : memref<128xf32, #tpu.memory_space<vmem>>, vector<16xf32>,
    tpu.vector_store %arg7[%swap3A_75], %broadcast_in_dim3A_3 {strides = array<i32>} : memref<128xf32, #tpu.memory_space<vmem>>, vector<16xf32>,
    %swap3A_77 = arith.constant 48 : index
    %swap3A_78 = tpu.vector_load %arg7[%swap3A_77] {strides = array<i32>} : memref<128xf32, #tpu.memory_space<vmem>>, vector<16xf32>,
    tpu.vector_store %arg7[%swap3A_77], %broadcast_in_dim3A_3 {strides = array<i32>} : memref<128xf32, #tpu.memory_space<vmem>>, vector<16xf32>,
    %swap3A_79 = arith.constant 64 : index
    %swap3A_80 = tpu.vector_load %arg7[%swap3A_79] {strides = array<i32>} : memref<128xf32, #tpu.memory_space<vmem>>, vector<16xf32>,
    tpu.vector_store %arg7[%swap3A_79], %broadcast_in_dim3A_3 {strides = array<i32>} : memref<128xf32, #tpu.memory_space<vmem>>, vector<16xf32>,
    %swap3A_81 = arith.constant 80 : index
    %swap3A_82 = tpu.vector_load %arg7[%swap3A_81] {strides = array<i32>} : memref<128xf32, #tpu.memory_space<vmem>>, vector<16xf32>,
    tpu.vector_store %arg7[%swap3A_81], %broadcast_in_dim3A_3 {strides = array<i32>} : memref<128xf32, #tpu.memory_space<vmem>>, vector<16xf32>,
    %swap3A_83 = arith.constant 96 : index
    %swap3A_84 = tpu.vector_load %arg7[%swap3A_83] {strides = array<i32>} : memref<128xf32, #tpu.memory_space<vmem>>, vector<16xf32>,
    tpu.vector_store %arg7[%swap3A_83], %broadcast_in_dim3A_3 {strides = array<i32>} : memref<128xf32, #tpu.memory_space<vmem>>, vector<16xf32>,
    %swap3A_85 = arith.constant 112 : index
    %swap3A_86 = tpu.vector_load %arg7[%swap3A_85] {strides = array<i32>} : memref<128xf32, #tpu.memory_space<vmem>>, vector<16xf32>,
    tpu.vector_store %arg7[%swap3A_85], %broadcast_in_dim3A_3 {strides = array<i32>} : memref<128xf32, #tpu.memory_space<vmem>>, vector<16xf32>,
    %scan3A_87 = arith.constant 0 : i32
    %scan3A_88 = arith.constant 0 : i32
    %scan3A_89 = arith.constant 104 : i32
    %scan3A_90 = arith.addi %scan3A_88, %scan3A_89 : i32
    %scan3A_91 = arith.constant 1 : i32
    scf.for %scan3A_785 = %scan3A_88 to %scan3A_90 step %scan3A_91  : i32 {
      %mul3A_786 = arith.constant 16 : i32
      %mul3A_787 = arith.muli %scan3A_785, %mul3A_786 : i32
      %get3A_788 = arith.index_cast %mul3A_787 : i32 to index
      %get3A_789 = tpu.vector_load %arg5[%get3A_788] {strides = array<i32>} : memref<1664xi32, #tpu.memory_space<vmem>>, vector<16xi32>,
      %mul3A_790 = arith.constant 16 : i32
      %mul3A_791 = arith.muli %scan3A_785, %mul3A_790 : i32
      %get3A_792 = arith.constant 1 : i32
      %get3A_793 = arith.index_cast %get3A_792 : i32 to index
      %get3A_794 = arith.index_cast %mul3A_791 : i32 to index
      %get3A_795 = tpu.vector_load %arg6[%get3A_793, %get3A_794] {strides = array<i32>} : memref<16x1664xf32, #tpu.memory_space<vmem>>, vector<16xf32>,
      tpu.vector_store_idx %arg7[%get3A_789], %get3A_795 {add = true} : memref<128xf32, #tpu.memory_space<vmem>>[vector<16xi32>], vector<16xf32>,
    }
    %scan3A_92 = arith.constant 104 : i32
    %get3A_93 = arith.constant 0 : index
    %get3A_94 = tpu.vector_load %arg7[%get3A_93] {strides = array<i32>} : memref<128xf32, #tpu.memory_space<vmem>>, vector<16xf32>,
    %swap3A_95 = arith.constant 1 : i32
    %swap3A_96 = arith.index_cast %swap3A_95 : i32 to index
    %swap3A_97 = arith.constant 0 : index
    %swap3A_98 = tpu.vector_load %arg8[%swap3A_96, %swap3A_97] {strides = array<i32>} : memref<17x64xf32, #tpu.memory_space<vmem>>, vector<16xf32>,
    tpu.vector_store %arg8[%swap3A_96, %swap3A_97], %get3A_94 {strides = array<i32>} : memref<17x64xf32, #tpu.memory_space<vmem>>, vector<16xf32>,
    %get3A_99 = arith.constant 16 : index
    %get3A_100 = tpu.vector_load %arg7[%get3A_99] {strides = array<i32>} : memref<128xf32, #tpu.memory_space<vmem>>, vector<16xf32>,
    %swap3A_101 = arith.constant 1 : i32
    %swap3A_102 = arith.index_cast %swap3A_101 : i32 to index
    %swap3A_103 = arith.constant 16 : index
    %swap3A_104 = tpu.vector_load %arg8[%swap3A_102, %swap3A_103] {strides = array<i32>} : memref<17x64xf32, #tpu.memory_space<vmem>>, vector<16xf32>,
    tpu.vector_store %arg8[%swap3A_102, %swap3A_103], %get3A_100 {strides = array<i32>} : memref<17x64xf32, #tpu.memory_space<vmem>>, vector<16xf32>,
    %get3A_105 = arith.constant 32 : index
    %get3A_106 = tpu.vector_load %arg7[%get3A_105] {strides = array<i32>} : memref<128xf32, #tpu.memory_space<vmem>>, vector<16xf32>,
    %swap3A_107 = arith.constant 1 : i32
    %swap3A_108 = arith.index_cast %swap3A_107 : i32 to index
    %swap3A_109 = arith.constant 32 : index
    %swap3A_110 = tpu.vector_load %arg8[%swap3A_108, %swap3A_109] {strides = array<i32>} : memref<17x64xf32, #tpu.memory_space<vmem>>, vector<16xf32>,
    tpu.vector_store %arg8[%swap3A_108, %swap3A_109], %get3A_106 {strides = array<i32>} : memref<17x64xf32, #tpu.memory_space<vmem>>, vector<16xf32>,
    %get3A_111 = arith.constant 48 : index
    %get3A_112 = tpu.vector_load %arg7[%get3A_111] {strides = array<i32>} : memref<128xf32, #tpu.memory_space<vmem>>, vector<16xf32>,
    %swap3A_113 = arith.constant 1 : i32
    %swap3A_114 = arith.index_cast %swap3A_113 : i32 to index
    %swap3A_115 = arith.constant 48 : index
    %swap3A_116 = tpu.vector_load %arg8[%swap3A_114, %swap3A_115] {strides = array<i32>} : memref<17x64xf32, #tpu.memory_space<vmem>>, vector<16xf32>,
    tpu.vector_store %arg8[%swap3A_114, %swap3A_115], %get3A_112 {strides = array<i32>} : memref<17x64xf32, #tpu.memory_space<vmem>>, vector<16xf32>,
    %swap3A_117 = arith.constant 0 : index
    %swap3A_118 = tpu.vector_load %arg7[%swap3A_117] {strides = array<i32>} : memref<128xf32, #tpu.memory_space<vmem>>, vector<16xf32>,
    tpu.vector_store %arg7[%swap3A_117], %broadcast_in_dim3A_3 {strides = array<i32>} : memref<128xf32, #tpu.memory_space<vmem>>, vector<16xf32>,
    %swap3A_119 = arith.constant 16 : index
    %swap3A_120 = tpu.vector_load %arg7[%swap3A_119] {strides = array<i32>} : memref<128xf32, #tpu.memory_space<vmem>>, vector<16xf32>,
    tpu.vector_store %arg7[%swap3A_119], %broadcast_in_dim3A_3 {strides = array<i32>} : memref<128xf32, #tpu.memory_space<vmem>>, vector<16xf32>,
    %swap3A_121 = arith.constant 32 : index
    %swap3A_122 = tpu.vector_load %arg7[%swap3A_121] {strides = array<i32>} : memref<128xf32, #tpu.memory_space<vmem>>, vector<16xf32>,
    tpu.vector_store %arg7[%swap3A_121], %broadcast_in_dim3A_3 {strides = array<i32>} : memref<128xf32, #tpu.memory_space<vmem>>, vector<16xf32>,
    %swap3A_123 = arith.constant 48 : index
    %swap3A_124 = tpu.vector_load %arg7[%swap3A_123] {strides = array<i32>} : memref<128xf32, #tpu.memory_space<vmem>>, vector<16xf32>,
    tpu.vector_store %arg7[%swap3A_123], %broadcast_in_dim3A_3 {strides = array<i32>} : memref<128xf32, #tpu.memory_space<vmem>>, vector<16xf32>,
    %swap3A_125 = arith.constant 64 : index
    %swap3A_126 = tpu.vector_load %arg7[%swap3A_125] {strides = array<i32>} : memref<128xf32, #tpu.memory_space<vmem>>, vector<16xf32>,
    tpu.vector_store %arg7[%swap3A_125], %broadcast_in_dim3A_3 {strides = array<i32>} : memref<128xf32, #tpu.memory_space<vmem>>, vector<16xf32>,
    %swap3A_127 = arith.constant 80 : index
    %swap3A_128 = tpu.vector_load %arg7[%swap3A_127] {strides = array<i32>} : memref<128xf32, #tpu.memory_space<vmem>>, vector<16xf32>,
    tpu.vector_store %arg7[%swap3A_127], %broadcast_in_dim3A_3 {strides = array<i32>} : memref<128xf32, #tpu.memory_space<vmem>>, vector<16xf32>,
    %swap3A_129 = arith.constant 96 : index
    %swap3A_130 = tpu.vector_load %arg7[%swap3A_129] {strides = array<i32>} : memref<128xf32, #tpu.memory_space<vmem>>, vector<16xf32>,
    tpu.vector_store %arg7[%swap3A_129], %broadcast_in_dim3A_3 {strides = array<i32>} : memref<128xf32, #tpu.memory_space<vmem>>, vector<16xf32>,
    %swap3A_131 = arith.constant 112 : index
    %swap3A_132 = tpu.vector_load %arg7[%swap3A_131] {strides = array<i32>} : memref<128xf32, #tpu.memory_space<vmem>>, vector<16xf32>,
    tpu.vector_store %arg7[%swap3A_131], %broadcast_in_dim3A_3 {strides = array<i32>} : memref<128xf32, #tpu.memory_space<vmem>>, vector<16xf32>,
    %scan3A_133 = arith.constant 0 : i32
    %scan3A_134 = arith.constant 0 : i32
    %scan3A_135 = arith.constant 104 : i32
    %scan3A_136 = arith.addi %scan3A_134, %scan3A_135 : i32
    %scan3A_137 = arith.constant 1 : i32
    scf.for %scan3A_785 = %scan3A_134 to %scan3A_136 step %scan3A_137  : i32 {
      %mul3A_786 = arith.constant 16 : i32
      %mul3A_787 = arith.muli %scan3A_785, %mul3A_786 : i32
      %get3A_788 = arith.index_cast %mul3A_787 : i32 to index
      %get3A_789 = tpu.vector_load %arg5[%get3A_788] {strides = array<i32>} : memref<1664xi32, #tpu.memory_space<vmem>>, vector<16xi32>,
      %mul3A_790 = arith.constant 16 : i32
      %mul3A_791 = arith.muli %scan3A_785, %mul3A_790 : i32
      %get3A_792 = arith.constant 2 : i32
      %get3A_793 = arith.index_cast %get3A_792 : i32 to index
      %get3A_794 = arith.index_cast %mul3A_791 : i32 to index
      %get3A_795 = tpu.vector_load %arg6[%get3A_793, %get3A_794] {strides = array<i32>} : memref<16x1664xf32, #tpu.memory_space<vmem>>, vector<16xf32>,
      tpu.vector_store_idx %arg7[%get3A_789], %get3A_795 {add = true} : memref<128xf32, #tpu.memory_space<vmem>>[vector<16xi32>], vector<16xf32>,
    }
    %scan3A_138 = arith.constant 104 : i32
    %get3A_139 = arith.constant 0 : index
    %get3A_140 = tpu.vector_load %arg7[%get3A_139] {strides = array<i32>} : memref<128xf32, #tpu.memory_space<vmem>>, vector<16xf32>,
    %swap3A_141 = arith.constant 2 : i32
    %swap3A_142 = arith.index_cast %swap3A_141 : i32 to index
    %swap3A_143 = arith.constant 0 : index
    %swap3A_144 = tpu.vector_load %arg8[%swap3A_142, %swap3A_143] {strides = array<i32>} : memref<17x64xf32, #tpu.memory_space<vmem>>, vector<16xf32>,
    tpu.vector_store %arg8[%swap3A_142, %swap3A_143], %get3A_140 {strides = array<i32>} : memref<17x64xf32, #tpu.memory_space<vmem>>, vector<16xf32>,
    %get3A_145 = arith.constant 16 : index
    %get3A_146 = tpu.vector_load %arg7[%get3A_145] {strides = array<i32>} : memref<128xf32, #tpu.memory_space<vmem>>, vector<16xf32>,
    %swap3A_147 = arith.constant 2 : i32
    %swap3A_148 = arith.index_cast %swap3A_147 : i32 to index
    %swap3A_149 = arith.constant 16 : index
    %swap3A_150 = tpu.vector_load %arg8[%swap3A_148, %swap3A_149] {strides = array<i32>} : memref<17x64xf32, #tpu.memory_space<vmem>>, vector<16xf32>,
    tpu.vector_store %arg8[%swap3A_148, %swap3A_149], %get3A_146 {strides = array<i32>} : memref<17x64xf32, #tpu.memory_space<vmem>>, vector<16xf32>,
    %get3A_151 = arith.constant 32 : index
    %get3A_152 = tpu.vector_load %arg7[%get3A_151] {strides = array<i32>} : memref<128xf32, #tpu.memory_space<vmem>>, vector<16xf32>,
    %swap3A_153 = arith.constant 2 : i32
    %swap3A_154 = arith.index_cast %swap3A_153 : i32 to index
    %swap3A_155 = arith.constant 32 : index
    %swap3A_156 = tpu.vector_load %arg8[%swap3A_154, %swap3A_155] {strides = array<i32>} : memref<17x64xf32, #tpu.memory_space<vmem>>, vector<16xf32>,
    tpu.vector_store %arg8[%swap3A_154, %swap3A_155], %get3A_152 {strides = array<i32>} : memref<17x64xf32, #tpu.memory_space<vmem>>, vector<16xf32>,
    %get3A_157 = arith.constant 48 : index
    %get3A_158 = tpu.vector_load %arg7[%get3A_157] {strides = array<i32>} : memref<128xf32, #tpu.memory_space<vmem>>, vector<16xf32>,
    %swap3A_159 = arith.constant 2 : i32
    %swap3A_160 = arith.index_cast %swap3A_159 : i32 to index
    %swap3A_161 = arith.constant 48 : index
    %swap3A_162 = tpu.vector_load %arg8[%swap3A_160, %swap3A_161] {strides = array<i32>} : memref<17x64xf32, #tpu.memory_space<vmem>>, vector<16xf32>,
    tpu.vector_store %arg8[%swap3A_160, %swap3A_161], %get3A_158 {strides = array<i32>} : memref<17x64xf32, #tpu.memory_space<vmem>>, vector<16xf32>,
    %swap3A_163 = arith.constant 0 : index
    %swap3A_164 = tpu.vector_load %arg7[%swap3A_163] {strides = array<i32>} : memref<128xf32, #tpu.memory_space<vmem>>, vector<16xf32>,
    tpu.vector_store %arg7[%swap3A_163], %broadcast_in_dim3A_3 {strides = array<i32>} : memref<128xf32, #tpu.memory_space<vmem>>, vector<16xf32>,
    %swap3A_165 = arith.constant 16 : index
    %swap3A_166 = tpu.vector_load %arg7[%swap3A_165] {strides = array<i32>} : memref<128xf32, #tpu.memory_space<vmem>>, vector<16xf32>,
    tpu.vector_store %arg7[%swap3A_165], %broadcast_in_dim3A_3 {strides = array<i32>} : memref<128xf32, #tpu.memory_space<vmem>>, vector<16xf32>,
    %swap3A_167 = arith.constant 32 : index
    %swap3A_168 = tpu.vector_load %arg7[%swap3A_167] {strides = array<i32>} : memref<128xf32, #tpu.memory_space<vmem>>, vector<16xf32>,
    tpu.vector_store %arg7[%swap3A_167], %broadcast_in_dim3A_3 {strides = array<i32>} : memref<128xf32, #tpu.memory_space<vmem>>, vector<16xf32>,
    %swap3A_169 = arith.constant 48 : index
    %swap3A_170 = tpu.vector_load %arg7[%swap3A_169] {strides = array<i32>} : memref<128xf32, #tpu.memory_space<vmem>>, vector<16xf32>,
    tpu.vector_store %arg7[%swap3A_169], %broadcast_in_dim3A_3 {strides = array<i32>} : memref<128xf32, #tpu.memory_space<vmem>>, vector<16xf32>,
    %swap3A_171 = arith.constant 64 : index
    %swap3A_172 = tpu.vector_load %arg7[%swap3A_171] {strides = array<i32>} : memref<128xf32, #tpu.memory_space<vmem>>, vector<16xf32>,
    tpu.vector_store %arg7[%swap3A_171], %broadcast_in_dim3A_3 {strides = array<i32>} : memref<128xf32, #tpu.memory_space<vmem>>, vector<16xf32>,
    %swap3A_173 = arith.constant 80 : index
    %swap3A_174 = tpu.vector_load %arg7[%swap3A_173] {strides = array<i32>} : memref<128xf32, #tpu.memory_space<vmem>>, vector<16xf32>,
    tpu.vector_store %arg7[%swap3A_173], %broadcast_in_dim3A_3 {strides = array<i32>} : memref<128xf32, #tpu.memory_space<vmem>>, vector<16xf32>,
    %swap3A_175 = arith.constant 96 : index
    %swap3A_176 = tpu.vector_load %arg7[%swap3A_175] {strides = array<i32>} : memref<128xf32, #tpu.memory_space<vmem>>, vector<16xf32>,
    tpu.vector_store %arg7[%swap3A_175], %broadcast_in_dim3A_3 {strides = array<i32>} : memref<128xf32, #tpu.memory_space<vmem>>, vector<16xf32>,
    %swap3A_177 = arith.constant 112 : index
    %swap3A_178 = tpu.vector_load %arg7[%swap3A_177] {strides = array<i32>} : memref<128xf32, #tpu.memory_space<vmem>>, vector<16xf32>,
    tpu.vector_store %arg7[%swap3A_177], %broadcast_in_dim3A_3 {strides = array<i32>} : memref<128xf32, #tpu.memory_space<vmem>>, vector<16xf32>,
    %scan3A_179 = arith.constant 0 : i32
    %scan3A_180 = arith.constant 0 : i32
    %scan3A_181 = arith.constant 104 : i32
    %scan3A_182 = arith.addi %scan3A_180, %scan3A_181 : i32
    %scan3A_183 = arith.constant 1 : i32
    scf.for %scan3A_785 = %scan3A_180 to %scan3A_182 step %scan3A_183  : i32 {
      %mul3A_786 = arith.constant 16 : i32
      %mul3A_787 = arith.muli %scan3A_785, %mul3A_786 : i32
      %get3A_788 = arith.index_cast %mul3A_787 : i32 to index
      %get3A_789 = tpu.vector_load %arg5[%get3A_788] {strides = array<i32>} : memref<1664xi32, #tpu.memory_space<vmem>>, vector<16xi32>,
      %mul3A_790 = arith.constant 16 : i32
      %mul3A_791 = arith.muli %scan3A_785, %mul3A_790 : i32
      %get3A_792 = arith.constant 3 : i32
      %get3A_793 = arith.index_cast %get3A_792 : i32 to index
      %get3A_794 = arith.index_cast %mul3A_791 : i32 to index
      %get3A_795 = tpu.vector_load %arg6[%get3A_793, %get3A_794] {strides = array<i32>} : memref<16x1664xf32, #tpu.memory_space<vmem>>, vector<16xf32>,
      tpu.vector_store_idx %arg7[%get3A_789], %get3A_795 {add = true} : memref<128xf32, #tpu.memory_space<vmem>>[vector<16xi32>], vector<16xf32>,
    }
    %scan3A_184 = arith.constant 104 : i32
    %get3A_185 = arith.constant 0 : index
    %get3A_186 = tpu.vector_load %arg7[%get3A_185] {strides = array<i32>} : memref<128xf32, #tpu.memory_space<vmem>>, vector<16xf32>,
    %swap3A_187 = arith.constant 3 : i32
    %swap3A_188 = arith.index_cast %swap3A_187 : i32 to index
    %swap3A_189 = arith.constant 0 : index
    %swap3A_190 = tpu.vector_load %arg8[%swap3A_188, %swap3A_189] {strides = array<i32>} : memref<17x64xf32, #tpu.memory_space<vmem>>, vector<16xf32>,
    tpu.vector_store %arg8[%swap3A_188, %swap3A_189], %get3A_186 {strides = array<i32>} : memref<17x64xf32, #tpu.memory_space<vmem>>, vector<16xf32>,
    %get3A_191 = arith.constant 16 : index
    %get3A_192 = tpu.vector_load %arg7[%get3A_191] {strides = array<i32>} : memref<128xf32, #tpu.memory_space<vmem>>, vector<16xf32>,
    %swap3A_193 = arith.constant 3 : i32
    %swap3A_194 = arith.index_cast %swap3A_193 : i32 to index
    %swap3A_195 = arith.constant 16 : index
    %swap3A_196 = tpu.vector_load %arg8[%swap3A_194, %swap3A_195] {strides = array<i32>} : memref<17x64xf32, #tpu.memory_space<vmem>>, vector<16xf32>,
    tpu.vector_store %arg8[%swap3A_194, %swap3A_195], %get3A_192 {strides = array<i32>} : memref<17x64xf32, #tpu.memory_space<vmem>>, vector<16xf32>,
    %get3A_197 = arith.constant 32 : index
    %get3A_198 = tpu.vector_load %arg7[%get3A_197] {strides = array<i32>} : memref<128xf32, #tpu.memory_space<vmem>>, vector<16xf32>,
    %swap3A_199 = arith.constant 3 : i32
    %swap3A_200 = arith.index_cast %swap3A_199 : i32 to index
    %swap3A_201 = arith.constant 32 : index
    %swap3A_202 = tpu.vector_load %arg8[%swap3A_200, %swap3A_201] {strides = array<i32>} : memref<17x64xf32, #tpu.memory_space<vmem>>, vector<16xf32>,
    tpu.vector_store %arg8[%swap3A_200, %swap3A_201], %get3A_198 {strides = array<i32>} : memref<17x64xf32, #tpu.memory_space<vmem>>, vector<16xf32>,
    %get3A_203 = arith.constant 48 : index
    %get3A_204 = tpu.vector_load %arg7[%get3A_203] {strides = array<i32>} : memref<128xf32, #tpu.memory_space<vmem>>, vector<16xf32>,
    %swap3A_205 = arith.constant 3 : i32
    %swap3A_206 = arith.index_cast %swap3A_205 : i32 to index
    %swap3A_207 = arith.constant 48 : index
    %swap3A_208 = tpu.vector_load %arg8[%swap3A_206, %swap3A_207] {strides = array<i32>} : memref<17x64xf32, #tpu.memory_space<vmem>>, vector<16xf32>,
    tpu.vector_store %arg8[%swap3A_206, %swap3A_207], %get3A_204 {strides = array<i32>} : memref<17x64xf32, #tpu.memory_space<vmem>>, vector<16xf32>,
    %swap3A_209 = arith.constant 0 : index
    %swap3A_210 = tpu.vector_load %arg7[%swap3A_209] {strides = array<i32>} : memref<128xf32, #tpu.memory_space<vmem>>, vector<16xf32>,
    tpu.vector_store %arg7[%swap3A_209], %broadcast_in_dim3A_3 {strides = array<i32>} : memref<128xf32, #tpu.memory_space<vmem>>, vector<16xf32>,
    %swap3A_211 = arith.constant 16 : index
    %swap3A_212 = tpu.vector_load %arg7[%swap3A_211] {strides = array<i32>} : memref<128xf32, #tpu.memory_space<vmem>>, vector<16xf32>,
    tpu.vector_store %arg7[%swap3A_211], %broadcast_in_dim3A_3 {strides = array<i32>} : memref<128xf32, #tpu.memory_space<vmem>>, vector<16xf32>,
    %swap3A_213 = arith.constant 32 : index
    %swap3A_214 = tpu.vector_load %arg7[%swap3A_213] {strides = array<i32>} : memref<128xf32, #tpu.memory_space<vmem>>, vector<16xf32>,
    tpu.vector_store %arg7[%swap3A_213], %broadcast_in_dim3A_3 {strides = array<i32>} : memref<128xf32, #tpu.memory_space<vmem>>, vector<16xf32>,
    %swap3A_215 = arith.constant 48 : index
    %swap3A_216 = tpu.vector_load %arg7[%swap3A_215] {strides = array<i32>} : memref<128xf32, #tpu.memory_space<vmem>>, vector<16xf32>,
    tpu.vector_store %arg7[%swap3A_215], %broadcast_in_dim3A_3 {strides = array<i32>} : memref<128xf32, #tpu.memory_space<vmem>>, vector<16xf32>,
    %swap3A_217 = arith.constant 64 : index
    %swap3A_218 = tpu.vector_load %arg7[%swap3A_217] {strides = array<i32>} : memref<128xf32, #tpu.memory_space<vmem>>, vector<16xf32>,
    tpu.vector_store %arg7[%swap3A_217], %broadcast_in_dim3A_3 {strides = array<i32>} : memref<128xf32, #tpu.memory_space<vmem>>, vector<16xf32>,
    %swap3A_219 = arith.constant 80 : index
    %swap3A_220 = tpu.vector_load %arg7[%swap3A_219] {strides = array<i32>} : memref<128xf32, #tpu.memory_space<vmem>>, vector<16xf32>,
    tpu.vector_store %arg7[%swap3A_219], %broadcast_in_dim3A_3 {strides = array<i32>} : memref<128xf32, #tpu.memory_space<vmem>>, vector<16xf32>,
    %swap3A_221 = arith.constant 96 : index
    %swap3A_222 = tpu.vector_load %arg7[%swap3A_221] {strides = array<i32>} : memref<128xf32, #tpu.memory_space<vmem>>, vector<16xf32>,
    tpu.vector_store %arg7[%swap3A_221], %broadcast_in_dim3A_3 {strides = array<i32>} : memref<128xf32, #tpu.memory_space<vmem>>, vector<16xf32>,
    %swap3A_223 = arith.constant 112 : index
    %swap3A_224 = tpu.vector_load %arg7[%swap3A_223] {strides = array<i32>} : memref<128xf32, #tpu.memory_space<vmem>>, vector<16xf32>,
    tpu.vector_store %arg7[%swap3A_223], %broadcast_in_dim3A_3 {strides = array<i32>} : memref<128xf32, #tpu.memory_space<vmem>>, vector<16xf32>,
    %scan3A_225 = arith.constant 0 : i32
    %scan3A_226 = arith.constant 0 : i32
    %scan3A_227 = arith.constant 104 : i32
    %scan3A_228 = arith.addi %scan3A_226, %scan3A_227 : i32
    %scan3A_229 = arith.constant 1 : i32
    scf.for %scan3A_785 = %scan3A_226 to %scan3A_228 step %scan3A_229  : i32 {
      %mul3A_786 = arith.constant 16 : i32
      %mul3A_787 = arith.muli %scan3A_785, %mul3A_786 : i32
      %get3A_788 = arith.index_cast %mul3A_787 : i32 to index
      %get3A_789 = tpu.vector_load %arg5[%get3A_788] {strides = array<i32>} : memref<1664xi32, #tpu.memory_space<vmem>>, vector<16xi32>,
      %mul3A_790 = arith.constant 16 : i32
      %mul3A_791 = arith.muli %scan3A_785, %mul3A_790 : i32
      %get3A_792 = arith.constant 4 : i32
      %get3A_793 = arith.index_cast %get3A_792 : i32 to index
      %get3A_794 = arith.index_cast %mul3A_791 : i32 to index
      %get3A_795 = tpu.vector_load %arg6[%get3A_793, %get3A_794] {strides = array<i32>} : memref<16x1664xf32, #tpu.memory_space<vmem>>, vector<16xf32>,
      tpu.vector_store_idx %arg7[%get3A_789], %get3A_795 {add = true} : memref<128xf32, #tpu.memory_space<vmem>>[vector<16xi32>], vector<16xf32>,
    }
    %scan3A_230 = arith.constant 104 : i32
    %get3A_231 = arith.constant 0 : index
    %get3A_232 = tpu.vector_load %arg7[%get3A_231] {strides = array<i32>} : memref<128xf32, #tpu.memory_space<vmem>>, vector<16xf32>,
    %swap3A_233 = arith.constant 4 : i32
    %swap3A_234 = arith.index_cast %swap3A_233 : i32 to index
    %swap3A_235 = arith.constant 0 : index
    %swap3A_236 = tpu.vector_load %arg8[%swap3A_234, %swap3A_235] {strides = array<i32>} : memref<17x64xf32, #tpu.memory_space<vmem>>, vector<16xf32>,
    tpu.vector_store %arg8[%swap3A_234, %swap3A_235], %get3A_232 {strides = array<i32>} : memref<17x64xf32, #tpu.memory_space<vmem>>, vector<16xf32>,
    %get3A_237 = arith.constant 16 : index
    %get3A_238 = tpu.vector_load %arg7[%get3A_237] {strides = array<i32>} : memref<128xf32, #tpu.memory_space<vmem>>, vector<16xf32>,
    %swap3A_239 = arith.constant 4 : i32
    %swap3A_240 = arith.index_cast %swap3A_239 : i32 to index
    %swap3A_241 = arith.constant 16 : index
    %swap3A_242 = tpu.vector_load %arg8[%swap3A_240, %swap3A_241] {strides = array<i32>} : memref<17x64xf32, #tpu.memory_space<vmem>>, vector<16xf32>,
    tpu.vector_store %arg8[%swap3A_240, %swap3A_241], %get3A_238 {strides = array<i32>} : memref<17x64xf32, #tpu.memory_space<vmem>>, vector<16xf32>,
    %get3A_243 = arith.constant 32 : index
    %get3A_244 = tpu.vector_load %arg7[%get3A_243] {strides = array<i32>} : memref<128xf32, #tpu.memory_space<vmem>>, vector<16xf32>,
    %swap3A_245 = arith.constant 4 : i32
    %swap3A_246 = arith.index_cast %swap3A_245 : i32 to index
    %swap3A_247 = arith.constant 32 : index
    %swap3A_248 = tpu.vector_load %arg8[%swap3A_246, %swap3A_247] {strides = array<i32>} : memref<17x64xf32, #tpu.memory_space<vmem>>, vector<16xf32>,
    tpu.vector_store %arg8[%swap3A_246, %swap3A_247], %get3A_244 {strides = array<i32>} : memref<17x64xf32, #tpu.memory_space<vmem>>, vector<16xf32>,
    %get3A_249 = arith.constant 48 : index
    %get3A_250 = tpu.vector_load %arg7[%get3A_249] {strides = array<i32>} : memref<128xf32, #tpu.memory_space<vmem>>, vector<16xf32>,
    %swap3A_251 = arith.constant 4 : i32
    %swap3A_252 = arith.index_cast %swap3A_251 : i32 to index
    %swap3A_253 = arith.constant 48 : index
    %swap3A_254 = tpu.vector_load %arg8[%swap3A_252, %swap3A_253] {strides = array<i32>} : memref<17x64xf32, #tpu.memory_space<vmem>>, vector<16xf32>,
    tpu.vector_store %arg8[%swap3A_252, %swap3A_253], %get3A_250 {strides = array<i32>} : memref<17x64xf32, #tpu.memory_space<vmem>>, vector<16xf32>,
    %swap3A_255 = arith.constant 0 : index
    %swap3A_256 = tpu.vector_load %arg7[%swap3A_255] {strides = array<i32>} : memref<128xf32, #tpu.memory_space<vmem>>, vector<16xf32>,
    tpu.vector_store %arg7[%swap3A_255], %broadcast_in_dim3A_3 {strides = array<i32>} : memref<128xf32, #tpu.memory_space<vmem>>, vector<16xf32>,
    %swap3A_257 = arith.constant 16 : index
    %swap3A_258 = tpu.vector_load %arg7[%swap3A_257] {strides = array<i32>} : memref<128xf32, #tpu.memory_space<vmem>>, vector<16xf32>,
    tpu.vector_store %arg7[%swap3A_257], %broadcast_in_dim3A_3 {strides = array<i32>} : memref<128xf32, #tpu.memory_space<vmem>>, vector<16xf32>,
    %swap3A_259 = arith.constant 32 : index
    %swap3A_260 = tpu.vector_load %arg7[%swap3A_259] {strides = array<i32>} : memref<128xf32, #tpu.memory_space<vmem>>, vector<16xf32>,
    tpu.vector_store %arg7[%swap3A_259], %broadcast_in_dim3A_3 {strides = array<i32>} : memref<128xf32, #tpu.memory_space<vmem>>, vector<16xf32>,
    %swap3A_261 = arith.constant 48 : index
    %swap3A_262 = tpu.vector_load %arg7[%swap3A_261] {strides = array<i32>} : memref<128xf32, #tpu.memory_space<vmem>>, vector<16xf32>,
    tpu.vector_store %arg7[%swap3A_261], %broadcast_in_dim3A_3 {strides = array<i32>} : memref<128xf32, #tpu.memory_space<vmem>>, vector<16xf32>,
    %swap3A_263 = arith.constant 64 : index
    %swap3A_264 = tpu.vector_load %arg7[%swap3A_263] {strides = array<i32>} : memref<128xf32, #tpu.memory_space<vmem>>, vector<16xf32>,
    tpu.vector_store %arg7[%swap3A_263], %broadcast_in_dim3A_3 {strides = array<i32>} : memref<128xf32, #tpu.memory_space<vmem>>, vector<16xf32>,
    %swap3A_265 = arith.constant 80 : index
    %swap3A_266 = tpu.vector_load %arg7[%swap3A_265] {strides = array<i32>} : memref<128xf32, #tpu.memory_space<vmem>>, vector<16xf32>,
    tpu.vector_store %arg7[%swap3A_265], %broadcast_in_dim3A_3 {strides = array<i32>} : memref<128xf32, #tpu.memory_space<vmem>>, vector<16xf32>,
    %swap3A_267 = arith.constant 96 : index
    %swap3A_268 = tpu.vector_load %arg7[%swap3A_267] {strides = array<i32>} : memref<128xf32, #tpu.memory_space<vmem>>, vector<16xf32>,
    tpu.vector_store %arg7[%swap3A_267], %broadcast_in_dim3A_3 {strides = array<i32>} : memref<128xf32, #tpu.memory_space<vmem>>, vector<16xf32>,
    %swap3A_269 = arith.constant 112 : index
    %swap3A_270 = tpu.vector_load %arg7[%swap3A_269] {strides = array<i32>} : memref<128xf32, #tpu.memory_space<vmem>>, vector<16xf32>,
    tpu.vector_store %arg7[%swap3A_269], %broadcast_in_dim3A_3 {strides = array<i32>} : memref<128xf32, #tpu.memory_space<vmem>>, vector<16xf32>,
    %scan3A_271 = arith.constant 0 : i32
    %scan3A_272 = arith.constant 0 : i32
    %scan3A_273 = arith.constant 104 : i32
    %scan3A_274 = arith.addi %scan3A_272, %scan3A_273 : i32
    %scan3A_275 = arith.constant 1 : i32
    scf.for %scan3A_785 = %scan3A_272 to %scan3A_274 step %scan3A_275  : i32 {
      %mul3A_786 = arith.constant 16 : i32
      %mul3A_787 = arith.muli %scan3A_785, %mul3A_786 : i32
      %get3A_788 = arith.index_cast %mul3A_787 : i32 to index
      %get3A_789 = tpu.vector_load %arg5[%get3A_788] {strides = array<i32>} : memref<1664xi32, #tpu.memory_space<vmem>>, vector<16xi32>,
      %mul3A_790 = arith.constant 16 : i32
      %mul3A_791 = arith.muli %scan3A_785, %mul3A_790 : i32
      %get3A_792 = arith.constant 5 : i32
      %get3A_793 = arith.index_cast %get3A_792 : i32 to index
      %get3A_794 = arith.index_cast %mul3A_791 : i32 to index
      %get3A_795 = tpu.vector_load %arg6[%get3A_793, %get3A_794] {strides = array<i32>} : memref<16x1664xf32, #tpu.memory_space<vmem>>, vector<16xf32>,
      tpu.vector_store_idx %arg7[%get3A_789], %get3A_795 {add = true} : memref<128xf32, #tpu.memory_space<vmem>>[vector<16xi32>], vector<16xf32>,
    }
    %scan3A_276 = arith.constant 104 : i32
    %get3A_277 = arith.constant 0 : index
    %get3A_278 = tpu.vector_load %arg7[%get3A_277] {strides = array<i32>} : memref<128xf32, #tpu.memory_space<vmem>>, vector<16xf32>,
    %swap3A_279 = arith.constant 5 : i32
    %swap3A_280 = arith.index_cast %swap3A_279 : i32 to index
    %swap3A_281 = arith.constant 0 : index
    %swap3A_282 = tpu.vector_load %arg8[%swap3A_280, %swap3A_281] {strides = array<i32>} : memref<17x64xf32, #tpu.memory_space<vmem>>, vector<16xf32>,
    tpu.vector_store %arg8[%swap3A_280, %swap3A_281], %get3A_278 {strides = array<i32>} : memref<17x64xf32, #tpu.memory_space<vmem>>, vector<16xf32>,
    %get3A_283 = arith.constant 16 : index
    %get3A_284 = tpu.vector_load %arg7[%get3A_283] {strides = array<i32>} : memref<128xf32, #tpu.memory_space<vmem>>, vector<16xf32>,
    %swap3A_285 = arith.constant 5 : i32
    %swap3A_286 = arith.index_cast %swap3A_285 : i32 to index
    %swap3A_287 = arith.constant 16 : index
    %swap3A_288 = tpu.vector_load %arg8[%swap3A_286, %swap3A_287] {strides = array<i32>} : memref<17x64xf32, #tpu.memory_space<vmem>>, vector<16xf32>,
    tpu.vector_store %arg8[%swap3A_286, %swap3A_287], %get3A_284 {strides = array<i32>} : memref<17x64xf32, #tpu.memory_space<vmem>>, vector<16xf32>,
    %get3A_289 = arith.constant 32 : index
    %get3A_290 = tpu.vector_load %arg7[%get3A_289] {strides = array<i32>} : memref<128xf32, #tpu.memory_space<vmem>>, vector<16xf32>,
    %swap3A_291 = arith.constant 5 : i32
    %swap3A_292 = arith.index_cast %swap3A_291 : i32 to index
    %swap3A_293 = arith.constant 32 : index
    %swap3A_294 = tpu.vector_load %arg8[%swap3A_292, %swap3A_293] {strides = array<i32>} : memref<17x64xf32, #tpu.memory_space<vmem>>, vector<16xf32>,
    tpu.vector_store %arg8[%swap3A_292, %swap3A_293], %get3A_290 {strides = array<i32>} : memref<17x64xf32, #tpu.memory_space<vmem>>, vector<16xf32>,
    %get3A_295 = arith.constant 48 : index
    %get3A_296 = tpu.vector_load %arg7[%get3A_295] {strides = array<i32>} : memref<128xf32, #tpu.memory_space<vmem>>, vector<16xf32>,
    %swap3A_297 = arith.constant 5 : i32
    %swap3A_298 = arith.index_cast %swap3A_297 : i32 to index
    %swap3A_299 = arith.constant 48 : index
    %swap3A_300 = tpu.vector_load %arg8[%swap3A_298, %swap3A_299] {strides = array<i32>} : memref<17x64xf32, #tpu.memory_space<vmem>>, vector<16xf32>,
    tpu.vector_store %arg8[%swap3A_298, %swap3A_299], %get3A_296 {strides = array<i32>} : memref<17x64xf32, #tpu.memory_space<vmem>>, vector<16xf32>,
    %swap3A_301 = arith.constant 0 : index
    %swap3A_302 = tpu.vector_load %arg7[%swap3A_301] {strides = array<i32>} : memref<128xf32, #tpu.memory_space<vmem>>, vector<16xf32>,
    tpu.vector_store %arg7[%swap3A_301], %broadcast_in_dim3A_3 {strides = array<i32>} : memref<128xf32, #tpu.memory_space<vmem>>, vector<16xf32>,
    %swap3A_303 = arith.constant 16 : index
    %swap3A_304 = tpu.vector_load %arg7[%swap3A_303] {strides = array<i32>} : memref<128xf32, #tpu.memory_space<vmem>>, vector<16xf32>,
    tpu.vector_store %arg7[%swap3A_303], %broadcast_in_dim3A_3 {strides = array<i32>} : memref<128xf32, #tpu.memory_space<vmem>>, vector<16xf32>,
    %swap3A_305 = arith.constant 32 : index
    %swap3A_306 = tpu.vector_load %arg7[%swap3A_305] {strides = array<i32>} : memref<128xf32, #tpu.memory_space<vmem>>, vector<16xf32>,
    tpu.vector_store %arg7[%swap3A_305], %broadcast_in_dim3A_3 {strides = array<i32>} : memref<128xf32, #tpu.memory_space<vmem>>, vector<16xf32>,
    %swap3A_307 = arith.constant 48 : index
    %swap3A_308 = tpu.vector_load %arg7[%swap3A_307] {strides = array<i32>} : memref<128xf32, #tpu.memory_space<vmem>>, vector<16xf32>,
    tpu.vector_store %arg7[%swap3A_307], %broadcast_in_dim3A_3 {strides = array<i32>} : memref<128xf32, #tpu.memory_space<vmem>>, vector<16xf32>,
    %swap3A_309 = arith.constant 64 : index
    %swap3A_310 = tpu.vector_load %arg7[%swap3A_309] {strides = array<i32>} : memref<128xf32, #tpu.memory_space<vmem>>, vector<16xf32>,
    tpu.vector_store %arg7[%swap3A_309], %broadcast_in_dim3A_3 {strides = array<i32>} : memref<128xf32, #tpu.memory_space<vmem>>, vector<16xf32>,
    %swap3A_311 = arith.constant 80 : index
    %swap3A_312 = tpu.vector_load %arg7[%swap3A_311] {strides = array<i32>} : memref<128xf32, #tpu.memory_space<vmem>>, vector<16xf32>,
    tpu.vector_store %arg7[%swap3A_311], %broadcast_in_dim3A_3 {strides = array<i32>} : memref<128xf32, #tpu.memory_space<vmem>>, vector<16xf32>,
    %swap3A_313 = arith.constant 96 : index
    %swap3A_314 = tpu.vector_load %arg7[%swap3A_313] {strides = array<i32>} : memref<128xf32, #tpu.memory_space<vmem>>, vector<16xf32>,
    tpu.vector_store %arg7[%swap3A_313], %broadcast_in_dim3A_3 {strides = array<i32>} : memref<128xf32, #tpu.memory_space<vmem>>, vector<16xf32>,
    %swap3A_315 = arith.constant 112 : index
    %swap3A_316 = tpu.vector_load %arg7[%swap3A_315] {strides = array<i32>} : memref<128xf32, #tpu.memory_space<vmem>>, vector<16xf32>,
    tpu.vector_store %arg7[%swap3A_315], %broadcast_in_dim3A_3 {strides = array<i32>} : memref<128xf32, #tpu.memory_space<vmem>>, vector<16xf32>,
    %scan3A_317 = arith.constant 0 : i32
    %scan3A_318 = arith.constant 0 : i32
    %scan3A_319 = arith.constant 104 : i32
    %scan3A_320 = arith.addi %scan3A_318, %scan3A_319 : i32
    %scan3A_321 = arith.constant 1 : i32
    scf.for %scan3A_785 = %scan3A_318 to %scan3A_320 step %scan3A_321  : i32 {
      %mul3A_786 = arith.constant 16 : i32
      %mul3A_787 = arith.muli %scan3A_785, %mul3A_786 : i32
      %get3A_788 = arith.index_cast %mul3A_787 : i32 to index
      %get3A_789 = tpu.vector_load %arg5[%get3A_788] {strides = array<i32>} : memref<1664xi32, #tpu.memory_space<vmem>>, vector<16xi32>,
      %mul3A_790 = arith.constant 16 : i32
      %mul3A_791 = arith.muli %scan3A_785, %mul3A_790 : i32
      %get3A_792 = arith.constant 6 : i32
      %get3A_793 = arith.index_cast %get3A_792 : i32 to index
      %get3A_794 = arith.index_cast %mul3A_791 : i32 to index
      %get3A_795 = tpu.vector_load %arg6[%get3A_793, %get3A_794] {strides = array<i32>} : memref<16x1664xf32, #tpu.memory_space<vmem>>, vector<16xf32>,
      tpu.vector_store_idx %arg7[%get3A_789], %get3A_795 {add = true} : memref<128xf32, #tpu.memory_space<vmem>>[vector<16xi32>], vector<16xf32>,
    }
    %scan3A_322 = arith.constant 104 : i32
    %get3A_323 = arith.constant 0 : index
    %get3A_324 = tpu.vector_load %arg7[%get3A_323] {strides = array<i32>} : memref<128xf32, #tpu.memory_space<vmem>>, vector<16xf32>,
    %swap3A_325 = arith.constant 6 : i32
    %swap3A_326 = arith.index_cast %swap3A_325 : i32 to index
    %swap3A_327 = arith.constant 0 : index
    %swap3A_328 = tpu.vector_load %arg8[%swap3A_326, %swap3A_327] {strides = array<i32>} : memref<17x64xf32, #tpu.memory_space<vmem>>, vector<16xf32>,
    tpu.vector_store %arg8[%swap3A_326, %swap3A_327], %get3A_324 {strides = array<i32>} : memref<17x64xf32, #tpu.memory_space<vmem>>, vector<16xf32>,
    %get3A_329 = arith.constant 16 : index
    %get3A_330 = tpu.vector_load %arg7[%get3A_329] {strides = array<i32>} : memref<128xf32, #tpu.memory_space<vmem>>, vector<16xf32>,
    %swap3A_331 = arith.constant 6 : i32
    %swap3A_332 = arith.index_cast %swap3A_331 : i32 to index
    %swap3A_333 = arith.constant 16 : index
    %swap3A_334 = tpu.vector_load %arg8[%swap3A_332, %swap3A_333] {strides = array<i32>} : memref<17x64xf32, #tpu.memory_space<vmem>>, vector<16xf32>,
    tpu.vector_store %arg8[%swap3A_332, %swap3A_333], %get3A_330 {strides = array<i32>} : memref<17x64xf32, #tpu.memory_space<vmem>>, vector<16xf32>,
    %get3A_335 = arith.constant 32 : index
    %get3A_336 = tpu.vector_load %arg7[%get3A_335] {strides = array<i32>} : memref<128xf32, #tpu.memory_space<vmem>>, vector<16xf32>,
    %swap3A_337 = arith.constant 6 : i32
    %swap3A_338 = arith.index_cast %swap3A_337 : i32 to index
    %swap3A_339 = arith.constant 32 : index
    %swap3A_340 = tpu.vector_load %arg8[%swap3A_338, %swap3A_339] {strides = array<i32>} : memref<17x64xf32, #tpu.memory_space<vmem>>, vector<16xf32>,
    tpu.vector_store %arg8[%swap3A_338, %swap3A_339], %get3A_336 {strides = array<i32>} : memref<17x64xf32, #tpu.memory_space<vmem>>, vector<16xf32>,
    %get3A_341 = arith.constant 48 : index
    %get3A_342 = tpu.vector_load %arg7[%get3A_341] {strides = array<i32>} : memref<128xf32, #tpu.memory_space<vmem>>, vector<16xf32>,
    %swap3A_343 = arith.constant 6 : i32
    %swap3A_344 = arith.index_cast %swap3A_343 : i32 to index
    %swap3A_345 = arith.constant 48 : index
    %swap3A_346 = tpu.vector_load %arg8[%swap3A_344, %swap3A_345] {strides = array<i32>} : memref<17x64xf32, #tpu.memory_space<vmem>>, vector<16xf32>,
    tpu.vector_store %arg8[%swap3A_344, %swap3A_345], %get3A_342 {strides = array<i32>} : memref<17x64xf32, #tpu.memory_space<vmem>>, vector<16xf32>,
    %swap3A_347 = arith.constant 0 : index
    %swap3A_348 = tpu.vector_load %arg7[%swap3A_347] {strides = array<i32>} : memref<128xf32, #tpu.memory_space<vmem>>, vector<16xf32>,
    tpu.vector_store %arg7[%swap3A_347], %broadcast_in_dim3A_3 {strides = array<i32>} : memref<128xf32, #tpu.memory_space<vmem>>, vector<16xf32>,
    %swap3A_349 = arith.constant 16 : index
    %swap3A_350 = tpu.vector_load %arg7[%swap3A_349] {strides = array<i32>} : memref<128xf32, #tpu.memory_space<vmem>>, vector<16xf32>,
    tpu.vector_store %arg7[%swap3A_349], %broadcast_in_dim3A_3 {strides = array<i32>} : memref<128xf32, #tpu.memory_space<vmem>>, vector<16xf32>,
    %swap3A_351 = arith.constant 32 : index
    %swap3A_352 = tpu.vector_load %arg7[%swap3A_351] {strides = array<i32>} : memref<128xf32, #tpu.memory_space<vmem>>, vector<16xf32>,
    tpu.vector_store %arg7[%swap3A_351], %broadcast_in_dim3A_3 {strides = array<i32>} : memref<128xf32, #tpu.memory_space<vmem>>, vector<16xf32>,
    %swap3A_353 = arith.constant 48 : index
    %swap3A_354 = tpu.vector_load %arg7[%swap3A_353] {strides = array<i32>} : memref<128xf32, #tpu.memory_space<vmem>>, vector<16xf32>,
    tpu.vector_store %arg7[%swap3A_353], %broadcast_in_dim3A_3 {strides = array<i32>} : memref<128xf32, #tpu.memory_space<vmem>>, vector<16xf32>,
    %swap3A_355 = arith.constant 64 : index
    %swap3A_356 = tpu.vector_load %arg7[%swap3A_355] {strides = array<i32>} : memref<128xf32, #tpu.memory_space<vmem>>, vector<16xf32>,
    tpu.vector_store %arg7[%swap3A_355], %broadcast_in_dim3A_3 {strides = array<i32>} : memref<128xf32, #tpu.memory_space<vmem>>, vector<16xf32>,
    %swap3A_357 = arith.constant 80 : index
    %swap3A_358 = tpu.vector_load %arg7[%swap3A_357] {strides = array<i32>} : memref<128xf32, #tpu.memory_space<vmem>>, vector<16xf32>,
    tpu.vector_store %arg7[%swap3A_357], %broadcast_in_dim3A_3 {strides = array<i32>} : memref<128xf32, #tpu.memory_space<vmem>>, vector<16xf32>,
    %swap3A_359 = arith.constant 96 : index
    %swap3A_360 = tpu.vector_load %arg7[%swap3A_359] {strides = array<i32>} : memref<128xf32, #tpu.memory_space<vmem>>, vector<16xf32>,
    tpu.vector_store %arg7[%swap3A_359], %broadcast_in_dim3A_3 {strides = array<i32>} : memref<128xf32, #tpu.memory_space<vmem>>, vector<16xf32>,
    %swap3A_361 = arith.constant 112 : index
    %swap3A_362 = tpu.vector_load %arg7[%swap3A_361] {strides = array<i32>} : memref<128xf32, #tpu.memory_space<vmem>>, vector<16xf32>,
    tpu.vector_store %arg7[%swap3A_361], %broadcast_in_dim3A_3 {strides = array<i32>} : memref<128xf32, #tpu.memory_space<vmem>>, vector<16xf32>,
    %scan3A_363 = arith.constant 0 : i32
    %scan3A_364 = arith.constant 0 : i32
    %scan3A_365 = arith.constant 104 : i32
    %scan3A_366 = arith.addi %scan3A_364, %scan3A_365 : i32
    %scan3A_367 = arith.constant 1 : i32
    scf.for %scan3A_785 = %scan3A_364 to %scan3A_366 step %scan3A_367  : i32 {
      %mul3A_786 = arith.constant 16 : i32
      %mul3A_787 = arith.muli %scan3A_785, %mul3A_786 : i32
      %get3A_788 = arith.index_cast %mul3A_787 : i32 to index
      %get3A_789 = tpu.vector_load %arg5[%get3A_788] {strides = array<i32>} : memref<1664xi32, #tpu.memory_space<vmem>>, vector<16xi32>,
      %mul3A_790 = arith.constant 16 : i32
      %mul3A_791 = arith.muli %scan3A_785, %mul3A_790 : i32
      %get3A_792 = arith.constant 7 : i32
      %get3A_793 = arith.index_cast %get3A_792 : i32 to index
      %get3A_794 = arith.index_cast %mul3A_791 : i32 to index
      %get3A_795 = tpu.vector_load %arg6[%get3A_793, %get3A_794] {strides = array<i32>} : memref<16x1664xf32, #tpu.memory_space<vmem>>, vector<16xf32>,
      tpu.vector_store_idx %arg7[%get3A_789], %get3A_795 {add = true} : memref<128xf32, #tpu.memory_space<vmem>>[vector<16xi32>], vector<16xf32>,
    }
    %scan3A_368 = arith.constant 104 : i32
    %get3A_369 = arith.constant 0 : index
    %get3A_370 = tpu.vector_load %arg7[%get3A_369] {strides = array<i32>} : memref<128xf32, #tpu.memory_space<vmem>>, vector<16xf32>,
    %swap3A_371 = arith.constant 7 : i32
    %swap3A_372 = arith.index_cast %swap3A_371 : i32 to index
    %swap3A_373 = arith.constant 0 : index
    %swap3A_374 = tpu.vector_load %arg8[%swap3A_372, %swap3A_373] {strides = array<i32>} : memref<17x64xf32, #tpu.memory_space<vmem>>, vector<16xf32>,
    tpu.vector_store %arg8[%swap3A_372, %swap3A_373], %get3A_370 {strides = array<i32>} : memref<17x64xf32, #tpu.memory_space<vmem>>, vector<16xf32>,
    %get3A_375 = arith.constant 16 : index
    %get3A_376 = tpu.vector_load %arg7[%get3A_375] {strides = array<i32>} : memref<128xf32, #tpu.memory_space<vmem>>, vector<16xf32>,
    %swap3A_377 = arith.constant 7 : i32
    %swap3A_378 = arith.index_cast %swap3A_377 : i32 to index
    %swap3A_379 = arith.constant 16 : index
    %swap3A_380 = tpu.vector_load %arg8[%swap3A_378, %swap3A_379] {strides = array<i32>} : memref<17x64xf32, #tpu.memory_space<vmem>>, vector<16xf32>,
    tpu.vector_store %arg8[%swap3A_378, %swap3A_379], %get3A_376 {strides = array<i32>} : memref<17x64xf32, #tpu.memory_space<vmem>>, vector<16xf32>,
    %get3A_381 = arith.constant 32 : index
    %get3A_382 = tpu.vector_load %arg7[%get3A_381] {strides = array<i32>} : memref<128xf32, #tpu.memory_space<vmem>>, vector<16xf32>,
    %swap3A_383 = arith.constant 7 : i32
    %swap3A_384 = arith.index_cast %swap3A_383 : i32 to index
    %swap3A_385 = arith.constant 32 : index
    %swap3A_386 = tpu.vector_load %arg8[%swap3A_384, %swap3A_385] {strides = array<i32>} : memref<17x64xf32, #tpu.memory_space<vmem>>, vector<16xf32>,
    tpu.vector_store %arg8[%swap3A_384, %swap3A_385], %get3A_382 {strides = array<i32>} : memref<17x64xf32, #tpu.memory_space<vmem>>, vector<16xf32>,
    %get3A_387 = arith.constant 48 : index
    %get3A_388 = tpu.vector_load %arg7[%get3A_387] {strides = array<i32>} : memref<128xf32, #tpu.memory_space<vmem>>, vector<16xf32>,
    %swap3A_389 = arith.constant 7 : i32
    %swap3A_390 = arith.index_cast %swap3A_389 : i32 to index
    %swap3A_391 = arith.constant 48 : index
    %swap3A_392 = tpu.vector_load %arg8[%swap3A_390, %swap3A_391] {strides = array<i32>} : memref<17x64xf32, #tpu.memory_space<vmem>>, vector<16xf32>,
    tpu.vector_store %arg8[%swap3A_390, %swap3A_391], %get3A_388 {strides = array<i32>} : memref<17x64xf32, #tpu.memory_space<vmem>>, vector<16xf32>,
    %swap3A_393 = arith.constant 0 : index
    %swap3A_394 = tpu.vector_load %arg7[%swap3A_393] {strides = array<i32>} : memref<128xf32, #tpu.memory_space<vmem>>, vector<16xf32>,
    tpu.vector_store %arg7[%swap3A_393], %broadcast_in_dim3A_3 {strides = array<i32>} : memref<128xf32, #tpu.memory_space<vmem>>, vector<16xf32>,
    %swap3A_395 = arith.constant 16 : index
    %swap3A_396 = tpu.vector_load %arg7[%swap3A_395] {strides = array<i32>} : memref<128xf32, #tpu.memory_space<vmem>>, vector<16xf32>,
    tpu.vector_store %arg7[%swap3A_395], %broadcast_in_dim3A_3 {strides = array<i32>} : memref<128xf32, #tpu.memory_space<vmem>>, vector<16xf32>,
    %swap3A_397 = arith.constant 32 : index
    %swap3A_398 = tpu.vector_load %arg7[%swap3A_397] {strides = array<i32>} : memref<128xf32, #tpu.memory_space<vmem>>, vector<16xf32>,
    tpu.vector_store %arg7[%swap3A_397], %broadcast_in_dim3A_3 {strides = array<i32>} : memref<128xf32, #tpu.memory_space<vmem>>, vector<16xf32>,
    %swap3A_399 = arith.constant 48 : index
    %swap3A_400 = tpu.vector_load %arg7[%swap3A_399] {strides = array<i32>} : memref<128xf32, #tpu.memory_space<vmem>>, vector<16xf32>,
    tpu.vector_store %arg7[%swap3A_399], %broadcast_in_dim3A_3 {strides = array<i32>} : memref<128xf32, #tpu.memory_space<vmem>>, vector<16xf32>,
    %swap3A_401 = arith.constant 64 : index
    %swap3A_402 = tpu.vector_load %arg7[%swap3A_401] {strides = array<i32>} : memref<128xf32, #tpu.memory_space<vmem>>, vector<16xf32>,
    tpu.vector_store %arg7[%swap3A_401], %broadcast_in_dim3A_3 {strides = array<i32>} : memref<128xf32, #tpu.memory_space<vmem>>, vector<16xf32>,
    %swap3A_403 = arith.constant 80 : index
    %swap3A_404 = tpu.vector_load %arg7[%swap3A_403] {strides = array<i32>} : memref<128xf32, #tpu.memory_space<vmem>>, vector<16xf32>,
    tpu.vector_store %arg7[%swap3A_403], %broadcast_in_dim3A_3 {strides = array<i32>} : memref<128xf32, #tpu.memory_space<vmem>>, vector<16xf32>,
    %swap3A_405 = arith.constant 96 : index
    %swap3A_406 = tpu.vector_load %arg7[%swap3A_405] {strides = array<i32>} : memref<128xf32, #tpu.memory_space<vmem>>, vector<16xf32>,
    tpu.vector_store %arg7[%swap3A_405], %broadcast_in_dim3A_3 {strides = array<i32>} : memref<128xf32, #tpu.memory_space<vmem>>, vector<16xf32>,
    %swap3A_407 = arith.constant 112 : index
    %swap3A_408 = tpu.vector_load %arg7[%swap3A_407] {strides = array<i32>} : memref<128xf32, #tpu.memory_space<vmem>>, vector<16xf32>,
    tpu.vector_store %arg7[%swap3A_407], %broadcast_in_dim3A_3 {strides = array<i32>} : memref<128xf32, #tpu.memory_space<vmem>>, vector<16xf32>,
    %scan3A_409 = arith.constant 0 : i32
    %scan3A_410 = arith.constant 0 : i32
    %scan3A_411 = arith.constant 104 : i32
    %scan3A_412 = arith.addi %scan3A_410, %scan3A_411 : i32
    %scan3A_413 = arith.constant 1 : i32
    scf.for %scan3A_785 = %scan3A_410 to %scan3A_412 step %scan3A_413  : i32 {
      %mul3A_786 = arith.constant 16 : i32
      %mul3A_787 = arith.muli %scan3A_785, %mul3A_786 : i32
      %get3A_788 = arith.index_cast %mul3A_787 : i32 to index
      %get3A_789 = tpu.vector_load %arg5[%get3A_788] {strides = array<i32>} : memref<1664xi32, #tpu.memory_space<vmem>>, vector<16xi32>,
      %mul3A_790 = arith.constant 16 : i32
      %mul3A_791 = arith.muli %scan3A_785, %mul3A_790 : i32
      %get3A_792 = arith.constant 8 : i32
      %get3A_793 = arith.index_cast %get3A_792 : i32 to index
      %get3A_794 = arith.index_cast %mul3A_791 : i32 to index
      %get3A_795 = tpu.vector_load %arg6[%get3A_793, %get3A_794] {strides = array<i32>} : memref<16x1664xf32, #tpu.memory_space<vmem>>, vector<16xf32>,
      tpu.vector_store_idx %arg7[%get3A_789], %get3A_795 {add = true} : memref<128xf32, #tpu.memory_space<vmem>>[vector<16xi32>], vector<16xf32>,
    }
    %scan3A_414 = arith.constant 104 : i32
    %get3A_415 = arith.constant 0 : index
    %get3A_416 = tpu.vector_load %arg7[%get3A_415] {strides = array<i32>} : memref<128xf32, #tpu.memory_space<vmem>>, vector<16xf32>,
    %swap3A_417 = arith.constant 8 : i32
    %swap3A_418 = arith.index_cast %swap3A_417 : i32 to index
    %swap3A_419 = arith.constant 0 : index
    %swap3A_420 = tpu.vector_load %arg8[%swap3A_418, %swap3A_419] {strides = array<i32>} : memref<17x64xf32, #tpu.memory_space<vmem>>, vector<16xf32>,
    tpu.vector_store %arg8[%swap3A_418, %swap3A_419], %get3A_416 {strides = array<i32>} : memref<17x64xf32, #tpu.memory_space<vmem>>, vector<16xf32>,
    %get3A_421 = arith.constant 16 : index
    %get3A_422 = tpu.vector_load %arg7[%get3A_421] {strides = array<i32>} : memref<128xf32, #tpu.memory_space<vmem>>, vector<16xf32>,
    %swap3A_423 = arith.constant 8 : i32
    %swap3A_424 = arith.index_cast %swap3A_423 : i32 to index
    %swap3A_425 = arith.constant 16 : index
    %swap3A_426 = tpu.vector_load %arg8[%swap3A_424, %swap3A_425] {strides = array<i32>} : memref<17x64xf32, #tpu.memory_space<vmem>>, vector<16xf32>,
    tpu.vector_store %arg8[%swap3A_424, %swap3A_425], %get3A_422 {strides = array<i32>} : memref<17x64xf32, #tpu.memory_space<vmem>>, vector<16xf32>,
    %get3A_427 = arith.constant 32 : index
    %get3A_428 = tpu.vector_load %arg7[%get3A_427] {strides = array<i32>} : memref<128xf32, #tpu.memory_space<vmem>>, vector<16xf32>,
    %swap3A_429 = arith.constant 8 : i32
    %swap3A_430 = arith.index_cast %swap3A_429 : i32 to index
    %swap3A_431 = arith.constant 32 : index
    %swap3A_432 = tpu.vector_load %arg8[%swap3A_430, %swap3A_431] {strides = array<i32>} : memref<17x64xf32, #tpu.memory_space<vmem>>, vector<16xf32>,
    tpu.vector_store %arg8[%swap3A_430, %swap3A_431], %get3A_428 {strides = array<i32>} : memref<17x64xf32, #tpu.memory_space<vmem>>, vector<16xf32>,
    %get3A_433 = arith.constant 48 : index
    %get3A_434 = tpu.vector_load %arg7[%get3A_433] {strides = array<i32>} : memref<128xf32, #tpu.memory_space<vmem>>, vector<16xf32>,
    %swap3A_435 = arith.constant 8 : i32
    %swap3A_436 = arith.index_cast %swap3A_435 : i32 to index
    %swap3A_437 = arith.constant 48 : index
    %swap3A_438 = tpu.vector_load %arg8[%swap3A_436, %swap3A_437] {strides = array<i32>} : memref<17x64xf32, #tpu.memory_space<vmem>>, vector<16xf32>,
    tpu.vector_store %arg8[%swap3A_436, %swap3A_437], %get3A_434 {strides = array<i32>} : memref<17x64xf32, #tpu.memory_space<vmem>>, vector<16xf32>,
    %swap3A_439 = arith.constant 0 : index
    %swap3A_440 = tpu.vector_load %arg7[%swap3A_439] {strides = array<i32>} : memref<128xf32, #tpu.memory_space<vmem>>, vector<16xf32>,
    tpu.vector_store %arg7[%swap3A_439], %broadcast_in_dim3A_3 {strides = array<i32>} : memref<128xf32, #tpu.memory_space<vmem>>, vector<16xf32>,
    %swap3A_441 = arith.constant 16 : index
    %swap3A_442 = tpu.vector_load %arg7[%swap3A_441] {strides = array<i32>} : memref<128xf32, #tpu.memory_space<vmem>>, vector<16xf32>,
    tpu.vector_store %arg7[%swap3A_441], %broadcast_in_dim3A_3 {strides = array<i32>} : memref<128xf32, #tpu.memory_space<vmem>>, vector<16xf32>,
    %swap3A_443 = arith.constant 32 : index
    %swap3A_444 = tpu.vector_load %arg7[%swap3A_443] {strides = array<i32>} : memref<128xf32, #tpu.memory_space<vmem>>, vector<16xf32>,
    tpu.vector_store %arg7[%swap3A_443], %broadcast_in_dim3A_3 {strides = array<i32>} : memref<128xf32, #tpu.memory_space<vmem>>, vector<16xf32>,
    %swap3A_445 = arith.constant 48 : index
    %swap3A_446 = tpu.vector_load %arg7[%swap3A_445] {strides = array<i32>} : memref<128xf32, #tpu.memory_space<vmem>>, vector<16xf32>,
    tpu.vector_store %arg7[%swap3A_445], %broadcast_in_dim3A_3 {strides = array<i32>} : memref<128xf32, #tpu.memory_space<vmem>>, vector<16xf32>,
    %swap3A_447 = arith.constant 64 : index
    %swap3A_448 = tpu.vector_load %arg7[%swap3A_447] {strides = array<i32>} : memref<128xf32, #tpu.memory_space<vmem>>, vector<16xf32>,
    tpu.vector_store %arg7[%swap3A_447], %broadcast_in_dim3A_3 {strides = array<i32>} : memref<128xf32, #tpu.memory_space<vmem>>, vector<16xf32>,
    %swap3A_449 = arith.constant 80 : index
    %swap3A_450 = tpu.vector_load %arg7[%swap3A_449] {strides = array<i32>} : memref<128xf32, #tpu.memory_space<vmem>>, vector<16xf32>,
    tpu.vector_store %arg7[%swap3A_449], %broadcast_in_dim3A_3 {strides = array<i32>} : memref<128xf32, #tpu.memory_space<vmem>>, vector<16xf32>,
    %swap3A_451 = arith.constant 96 : index
    %swap3A_452 = tpu.vector_load %arg7[%swap3A_451] {strides = array<i32>} : memref<128xf32, #tpu.memory_space<vmem>>, vector<16xf32>,
    tpu.vector_store %arg7[%swap3A_451], %broadcast_in_dim3A_3 {strides = array<i32>} : memref<128xf32, #tpu.memory_space<vmem>>, vector<16xf32>,
    %swap3A_453 = arith.constant 112 : index
    %swap3A_454 = tpu.vector_load %arg7[%swap3A_453] {strides = array<i32>} : memref<128xf32, #tpu.memory_space<vmem>>, vector<16xf32>,
    tpu.vector_store %arg7[%swap3A_453], %broadcast_in_dim3A_3 {strides = array<i32>} : memref<128xf32, #tpu.memory_space<vmem>>, vector<16xf32>,
    %scan3A_455 = arith.constant 0 : i32
    %scan3A_456 = arith.constant 0 : i32
    %scan3A_457 = arith.constant 104 : i32
    %scan3A_458 = arith.addi %scan3A_456, %scan3A_457 : i32
    %scan3A_459 = arith.constant 1 : i32
    scf.for %scan3A_785 = %scan3A_456 to %scan3A_458 step %scan3A_459  : i32 {
      %mul3A_786 = arith.constant 16 : i32
      %mul3A_787 = arith.muli %scan3A_785, %mul3A_786 : i32
      %get3A_788 = arith.index_cast %mul3A_787 : i32 to index
      %get3A_789 = tpu.vector_load %arg5[%get3A_788] {strides = array<i32>} : memref<1664xi32, #tpu.memory_space<vmem>>, vector<16xi32>,
      %mul3A_790 = arith.constant 16 : i32
      %mul3A_791 = arith.muli %scan3A_785, %mul3A_790 : i32
      %get3A_792 = arith.constant 9 : i32
      %get3A_793 = arith.index_cast %get3A_792 : i32 to index
      %get3A_794 = arith.index_cast %mul3A_791 : i32 to index
      %get3A_795 = tpu.vector_load %arg6[%get3A_793, %get3A_794] {strides = array<i32>} : memref<16x1664xf32, #tpu.memory_space<vmem>>, vector<16xf32>,
      tpu.vector_store_idx %arg7[%get3A_789], %get3A_795 {add = true} : memref<128xf32, #tpu.memory_space<vmem>>[vector<16xi32>], vector<16xf32>,
    }
    %scan3A_460 = arith.constant 104 : i32
    %get3A_461 = arith.constant 0 : index
    %get3A_462 = tpu.vector_load %arg7[%get3A_461] {strides = array<i32>} : memref<128xf32, #tpu.memory_space<vmem>>, vector<16xf32>,
    %swap3A_463 = arith.constant 9 : i32
    %swap3A_464 = arith.index_cast %swap3A_463 : i32 to index
    %swap3A_465 = arith.constant 0 : index
    %swap3A_466 = tpu.vector_load %arg8[%swap3A_464, %swap3A_465] {strides = array<i32>} : memref<17x64xf32, #tpu.memory_space<vmem>>, vector<16xf32>,
    tpu.vector_store %arg8[%swap3A_464, %swap3A_465], %get3A_462 {strides = array<i32>} : memref<17x64xf32, #tpu.memory_space<vmem>>, vector<16xf32>,
    %get3A_467 = arith.constant 16 : index
    %get3A_468 = tpu.vector_load %arg7[%get3A_467] {strides = array<i32>} : memref<128xf32, #tpu.memory_space<vmem>>, vector<16xf32>,
    %swap3A_469 = arith.constant 9 : i32
    %swap3A_470 = arith.index_cast %swap3A_469 : i32 to index
    %swap3A_471 = arith.constant 16 : index
    %swap3A_472 = tpu.vector_load %arg8[%swap3A_470, %swap3A_471] {strides = array<i32>} : memref<17x64xf32, #tpu.memory_space<vmem>>, vector<16xf32>,
    tpu.vector_store %arg8[%swap3A_470, %swap3A_471], %get3A_468 {strides = array<i32>} : memref<17x64xf32, #tpu.memory_space<vmem>>, vector<16xf32>,
    %get3A_473 = arith.constant 32 : index
    %get3A_474 = tpu.vector_load %arg7[%get3A_473] {strides = array<i32>} : memref<128xf32, #tpu.memory_space<vmem>>, vector<16xf32>,
    %swap3A_475 = arith.constant 9 : i32
    %swap3A_476 = arith.index_cast %swap3A_475 : i32 to index
    %swap3A_477 = arith.constant 32 : index
    %swap3A_478 = tpu.vector_load %arg8[%swap3A_476, %swap3A_477] {strides = array<i32>} : memref<17x64xf32, #tpu.memory_space<vmem>>, vector<16xf32>,
    tpu.vector_store %arg8[%swap3A_476, %swap3A_477], %get3A_474 {strides = array<i32>} : memref<17x64xf32, #tpu.memory_space<vmem>>, vector<16xf32>,
    %get3A_479 = arith.constant 48 : index
    %get3A_480 = tpu.vector_load %arg7[%get3A_479] {strides = array<i32>} : memref<128xf32, #tpu.memory_space<vmem>>, vector<16xf32>,
    %swap3A_481 = arith.constant 9 : i32
    %swap3A_482 = arith.index_cast %swap3A_481 : i32 to index
    %swap3A_483 = arith.constant 48 : index
    %swap3A_484 = tpu.vector_load %arg8[%swap3A_482, %swap3A_483] {strides = array<i32>} : memref<17x64xf32, #tpu.memory_space<vmem>>, vector<16xf32>,
    tpu.vector_store %arg8[%swap3A_482, %swap3A_483], %get3A_480 {strides = array<i32>} : memref<17x64xf32, #tpu.memory_space<vmem>>, vector<16xf32>,
    %swap3A_485 = arith.constant 0 : index
    %swap3A_486 = tpu.vector_load %arg7[%swap3A_485] {strides = array<i32>} : memref<128xf32, #tpu.memory_space<vmem>>, vector<16xf32>,
    tpu.vector_store %arg7[%swap3A_485], %broadcast_in_dim3A_3 {strides = array<i32>} : memref<128xf32, #tpu.memory_space<vmem>>, vector<16xf32>,
    %swap3A_487 = arith.constant 16 : index
    %swap3A_488 = tpu.vector_load %arg7[%swap3A_487] {strides = array<i32>} : memref<128xf32, #tpu.memory_space<vmem>>, vector<16xf32>,
    tpu.vector_store %arg7[%swap3A_487], %broadcast_in_dim3A_3 {strides = array<i32>} : memref<128xf32, #tpu.memory_space<vmem>>, vector<16xf32>,
    %swap3A_489 = arith.constant 32 : index
    %swap3A_490 = tpu.vector_load %arg7[%swap3A_489] {strides = array<i32>} : memref<128xf32, #tpu.memory_space<vmem>>, vector<16xf32>,
    tpu.vector_store %arg7[%swap3A_489], %broadcast_in_dim3A_3 {strides = array<i32>} : memref<128xf32, #tpu.memory_space<vmem>>, vector<16xf32>,
    %swap3A_491 = arith.constant 48 : index
    %swap3A_492 = tpu.vector_load %arg7[%swap3A_491] {strides = array<i32>} : memref<128xf32, #tpu.memory_space<vmem>>, vector<16xf32>,
    tpu.vector_store %arg7[%swap3A_491], %broadcast_in_dim3A_3 {strides = array<i32>} : memref<128xf32, #tpu.memory_space<vmem>>, vector<16xf32>,
    %swap3A_493 = arith.constant 64 : index
    %swap3A_494 = tpu.vector_load %arg7[%swap3A_493] {strides = array<i32>} : memref<128xf32, #tpu.memory_space<vmem>>, vector<16xf32>,
    tpu.vector_store %arg7[%swap3A_493], %broadcast_in_dim3A_3 {strides = array<i32>} : memref<128xf32, #tpu.memory_space<vmem>>, vector<16xf32>,
    %swap3A_495 = arith.constant 80 : index
    %swap3A_496 = tpu.vector_load %arg7[%swap3A_495] {strides = array<i32>} : memref<128xf32, #tpu.memory_space<vmem>>, vector<16xf32>,
    tpu.vector_store %arg7[%swap3A_495], %broadcast_in_dim3A_3 {strides = array<i32>} : memref<128xf32, #tpu.memory_space<vmem>>, vector<16xf32>,
    %swap3A_497 = arith.constant 96 : index
    %swap3A_498 = tpu.vector_load %arg7[%swap3A_497] {strides = array<i32>} : memref<128xf32, #tpu.memory_space<vmem>>, vector<16xf32>,
    tpu.vector_store %arg7[%swap3A_497], %broadcast_in_dim3A_3 {strides = array<i32>} : memref<128xf32, #tpu.memory_space<vmem>>, vector<16xf32>,
    %swap3A_499 = arith.constant 112 : index
    %swap3A_500 = tpu.vector_load %arg7[%swap3A_499] {strides = array<i32>} : memref<128xf32, #tpu.memory_space<vmem>>, vector<16xf32>,
    tpu.vector_store %arg7[%swap3A_499], %broadcast_in_dim3A_3 {strides = array<i32>} : memref<128xf32, #tpu.memory_space<vmem>>, vector<16xf32>,
    %scan3A_501 = arith.constant 0 : i32
    %scan3A_502 = arith.constant 0 : i32
    %scan3A_503 = arith.constant 104 : i32
    %scan3A_504 = arith.addi %scan3A_502, %scan3A_503 : i32
    %scan3A_505 = arith.constant 1 : i32
    scf.for %scan3A_785 = %scan3A_502 to %scan3A_504 step %scan3A_505  : i32 {
      %mul3A_786 = arith.constant 16 : i32
      %mul3A_787 = arith.muli %scan3A_785, %mul3A_786 : i32
      %get3A_788 = arith.index_cast %mul3A_787 : i32 to index
      %get3A_789 = tpu.vector_load %arg5[%get3A_788] {strides = array<i32>} : memref<1664xi32, #tpu.memory_space<vmem>>, vector<16xi32>,
      %mul3A_790 = arith.constant 16 : i32
      %mul3A_791 = arith.muli %scan3A_785, %mul3A_790 : i32
      %get3A_792 = arith.constant 10 : i32
      %get3A_793 = arith.index_cast %get3A_792 : i32 to index
      %get3A_794 = arith.index_cast %mul3A_791 : i32 to index
      %get3A_795 = tpu.vector_load %arg6[%get3A_793, %get3A_794] {strides = array<i32>} : memref<16x1664xf32, #tpu.memory_space<vmem>>, vector<16xf32>,
      tpu.vector_store_idx %arg7[%get3A_789], %get3A_795 {add = true} : memref<128xf32, #tpu.memory_space<vmem>>[vector<16xi32>], vector<16xf32>,
    }
    %scan3A_506 = arith.constant 104 : i32
    %get3A_507 = arith.constant 0 : index
    %get3A_508 = tpu.vector_load %arg7[%get3A_507] {strides = array<i32>} : memref<128xf32, #tpu.memory_space<vmem>>, vector<16xf32>,
    %swap3A_509 = arith.constant 10 : i32
    %swap3A_510 = arith.index_cast %swap3A_509 : i32 to index
    %swap3A_511 = arith.constant 0 : index
    %swap3A_512 = tpu.vector_load %arg8[%swap3A_510, %swap3A_511] {strides = array<i32>} : memref<17x64xf32, #tpu.memory_space<vmem>>, vector<16xf32>,
    tpu.vector_store %arg8[%swap3A_510, %swap3A_511], %get3A_508 {strides = array<i32>} : memref<17x64xf32, #tpu.memory_space<vmem>>, vector<16xf32>,
    %get3A_513 = arith.constant 16 : index
    %get3A_514 = tpu.vector_load %arg7[%get3A_513] {strides = array<i32>} : memref<128xf32, #tpu.memory_space<vmem>>, vector<16xf32>,
    %swap3A_515 = arith.constant 10 : i32
    %swap3A_516 = arith.index_cast %swap3A_515 : i32 to index
    %swap3A_517 = arith.constant 16 : index
    %swap3A_518 = tpu.vector_load %arg8[%swap3A_516, %swap3A_517] {strides = array<i32>} : memref<17x64xf32, #tpu.memory_space<vmem>>, vector<16xf32>,
    tpu.vector_store %arg8[%swap3A_516, %swap3A_517], %get3A_514 {strides = array<i32>} : memref<17x64xf32, #tpu.memory_space<vmem>>, vector<16xf32>,
    %get3A_519 = arith.constant 32 : index
    %get3A_520 = tpu.vector_load %arg7[%get3A_519] {strides = array<i32>} : memref<128xf32, #tpu.memory_space<vmem>>, vector<16xf32>,
    %swap3A_521 = arith.constant 10 : i32
    %swap3A_522 = arith.index_cast %swap3A_521 : i32 to index
    %swap3A_523 = arith.constant 32 : index
    %swap3A_524 = tpu.vector_load %arg8[%swap3A_522, %swap3A_523] {strides = array<i32>} : memref<17x64xf32, #tpu.memory_space<vmem>>, vector<16xf32>,
    tpu.vector_store %arg8[%swap3A_522, %swap3A_523], %get3A_520 {strides = array<i32>} : memref<17x64xf32, #tpu.memory_space<vmem>>, vector<16xf32>,
    %get3A_525 = arith.constant 48 : index
    %get3A_526 = tpu.vector_load %arg7[%get3A_525] {strides = array<i32>} : memref<128xf32, #tpu.memory_space<vmem>>, vector<16xf32>,
    %swap3A_527 = arith.constant 10 : i32
    %swap3A_528 = arith.index_cast %swap3A_527 : i32 to index
    %swap3A_529 = arith.constant 48 : index
    %swap3A_530 = tpu.vector_load %arg8[%swap3A_528, %swap3A_529] {strides = array<i32>} : memref<17x64xf32, #tpu.memory_space<vmem>>, vector<16xf32>,
    tpu.vector_store %arg8[%swap3A_528, %swap3A_529], %get3A_526 {strides = array<i32>} : memref<17x64xf32, #tpu.memory_space<vmem>>, vector<16xf32>,
    %swap3A_531 = arith.constant 0 : index
    %swap3A_532 = tpu.vector_load %arg7[%swap3A_531] {strides = array<i32>} : memref<128xf32, #tpu.memory_space<vmem>>, vector<16xf32>,
    tpu.vector_store %arg7[%swap3A_531], %broadcast_in_dim3A_3 {strides = array<i32>} : memref<128xf32, #tpu.memory_space<vmem>>, vector<16xf32>,
    %swap3A_533 = arith.constant 16 : index
    %swap3A_534 = tpu.vector_load %arg7[%swap3A_533] {strides = array<i32>} : memref<128xf32, #tpu.memory_space<vmem>>, vector<16xf32>,
    tpu.vector_store %arg7[%swap3A_533], %broadcast_in_dim3A_3 {strides = array<i32>} : memref<128xf32, #tpu.memory_space<vmem>>, vector<16xf32>,
    %swap3A_535 = arith.constant 32 : index
    %swap3A_536 = tpu.vector_load %arg7[%swap3A_535] {strides = array<i32>} : memref<128xf32, #tpu.memory_space<vmem>>, vector<16xf32>,
    tpu.vector_store %arg7[%swap3A_535], %broadcast_in_dim3A_3 {strides = array<i32>} : memref<128xf32, #tpu.memory_space<vmem>>, vector<16xf32>,
    %swap3A_537 = arith.constant 48 : index
    %swap3A_538 = tpu.vector_load %arg7[%swap3A_537] {strides = array<i32>} : memref<128xf32, #tpu.memory_space<vmem>>, vector<16xf32>,
    tpu.vector_store %arg7[%swap3A_537], %broadcast_in_dim3A_3 {strides = array<i32>} : memref<128xf32, #tpu.memory_space<vmem>>, vector<16xf32>,
    %swap3A_539 = arith.constant 64 : index
    %swap3A_540 = tpu.vector_load %arg7[%swap3A_539] {strides = array<i32>} : memref<128xf32, #tpu.memory_space<vmem>>, vector<16xf32>,
    tpu.vector_store %arg7[%swap3A_539], %broadcast_in_dim3A_3 {strides = array<i32>} : memref<128xf32, #tpu.memory_space<vmem>>, vector<16xf32>,
    %swap3A_541 = arith.constant 80 : index
    %swap3A_542 = tpu.vector_load %arg7[%swap3A_541] {strides = array<i32>} : memref<128xf32, #tpu.memory_space<vmem>>, vector<16xf32>,
    tpu.vector_store %arg7[%swap3A_541], %broadcast_in_dim3A_3 {strides = array<i32>} : memref<128xf32, #tpu.memory_space<vmem>>, vector<16xf32>,
    %swap3A_543 = arith.constant 96 : index
    %swap3A_544 = tpu.vector_load %arg7[%swap3A_543] {strides = array<i32>} : memref<128xf32, #tpu.memory_space<vmem>>, vector<16xf32>,
    tpu.vector_store %arg7[%swap3A_543], %broadcast_in_dim3A_3 {strides = array<i32>} : memref<128xf32, #tpu.memory_space<vmem>>, vector<16xf32>,
    %swap3A_545 = arith.constant 112 : index
    %swap3A_546 = tpu.vector_load %arg7[%swap3A_545] {strides = array<i32>} : memref<128xf32, #tpu.memory_space<vmem>>, vector<16xf32>,
    tpu.vector_store %arg7[%swap3A_545], %broadcast_in_dim3A_3 {strides = array<i32>} : memref<128xf32, #tpu.memory_space<vmem>>, vector<16xf32>,
    %scan3A_547 = arith.constant 0 : i32
    %scan3A_548 = arith.constant 0 : i32
    %scan3A_549 = arith.constant 104 : i32
    %scan3A_550 = arith.addi %scan3A_548, %scan3A_549 : i32
    %scan3A_551 = arith.constant 1 : i32
    scf.for %scan3A_785 = %scan3A_548 to %scan3A_550 step %scan3A_551  : i32 {
      %mul3A_786 = arith.constant 16 : i32
      %mul3A_787 = arith.muli %scan3A_785, %mul3A_786 : i32
      %get3A_788 = arith.index_cast %mul3A_787 : i32 to index
      %get3A_789 = tpu.vector_load %arg5[%get3A_788] {strides = array<i32>} : memref<1664xi32, #tpu.memory_space<vmem>>, vector<16xi32>,
      %mul3A_790 = arith.constant 16 : i32
      %mul3A_791 = arith.muli %scan3A_785, %mul3A_790 : i32
      %get3A_792 = arith.constant 11 : i32
      %get3A_793 = arith.index_cast %get3A_792 : i32 to index
      %get3A_794 = arith.index_cast %mul3A_791 : i32 to index
      %get3A_795 = tpu.vector_load %arg6[%get3A_793, %get3A_794] {strides = array<i32>} : memref<16x1664xf32, #tpu.memory_space<vmem>>, vector<16xf32>,
      tpu.vector_store_idx %arg7[%get3A_789], %get3A_795 {add = true} : memref<128xf32, #tpu.memory_space<vmem>>[vector<16xi32>], vector<16xf32>,
    }
    %scan3A_552 = arith.constant 104 : i32
    %get3A_553 = arith.constant 0 : index
    %get3A_554 = tpu.vector_load %arg7[%get3A_553] {strides = array<i32>} : memref<128xf32, #tpu.memory_space<vmem>>, vector<16xf32>,
    %swap3A_555 = arith.constant 11 : i32
    %swap3A_556 = arith.index_cast %swap3A_555 : i32 to index
    %swap3A_557 = arith.constant 0 : index
    %swap3A_558 = tpu.vector_load %arg8[%swap3A_556, %swap3A_557] {strides = array<i32>} : memref<17x64xf32, #tpu.memory_space<vmem>>, vector<16xf32>,
    tpu.vector_store %arg8[%swap3A_556, %swap3A_557], %get3A_554 {strides = array<i32>} : memref<17x64xf32, #tpu.memory_space<vmem>>, vector<16xf32>,
    %get3A_559 = arith.constant 16 : index
    %get3A_560 = tpu.vector_load %arg7[%get3A_559] {strides = array<i32>} : memref<128xf32, #tpu.memory_space<vmem>>, vector<16xf32>,
    %swap3A_561 = arith.constant 11 : i32
    %swap3A_562 = arith.index_cast %swap3A_561 : i32 to index
    %swap3A_563 = arith.constant 16 : index
    %swap3A_564 = tpu.vector_load %arg8[%swap3A_562, %swap3A_563] {strides = array<i32>} : memref<17x64xf32, #tpu.memory_space<vmem>>, vector<16xf32>,
    tpu.vector_store %arg8[%swap3A_562, %swap3A_563], %get3A_560 {strides = array<i32>} : memref<17x64xf32, #tpu.memory_space<vmem>>, vector<16xf32>,
    %get3A_565 = arith.constant 32 : index
    %get3A_566 = tpu.vector_load %arg7[%get3A_565] {strides = array<i32>} : memref<128xf32, #tpu.memory_space<vmem>>, vector<16xf32>,
    %swap3A_567 = arith.constant 11 : i32
    %swap3A_568 = arith.index_cast %swap3A_567 : i32 to index
    %swap3A_569 = arith.constant 32 : index
    %swap3A_570 = tpu.vector_load %arg8[%swap3A_568, %swap3A_569] {strides = array<i32>} : memref<17x64xf32, #tpu.memory_space<vmem>>, vector<16xf32>,
    tpu.vector_store %arg8[%swap3A_568, %swap3A_569], %get3A_566 {strides = array<i32>} : memref<17x64xf32, #tpu.memory_space<vmem>>, vector<16xf32>,
    %get3A_571 = arith.constant 48 : index
    %get3A_572 = tpu.vector_load %arg7[%get3A_571] {strides = array<i32>} : memref<128xf32, #tpu.memory_space<vmem>>, vector<16xf32>,
    %swap3A_573 = arith.constant 11 : i32
    %swap3A_574 = arith.index_cast %swap3A_573 : i32 to index
    %swap3A_575 = arith.constant 48 : index
    %swap3A_576 = tpu.vector_load %arg8[%swap3A_574, %swap3A_575] {strides = array<i32>} : memref<17x64xf32, #tpu.memory_space<vmem>>, vector<16xf32>,
    tpu.vector_store %arg8[%swap3A_574, %swap3A_575], %get3A_572 {strides = array<i32>} : memref<17x64xf32, #tpu.memory_space<vmem>>, vector<16xf32>,
    %swap3A_577 = arith.constant 0 : index
    %swap3A_578 = tpu.vector_load %arg7[%swap3A_577] {strides = array<i32>} : memref<128xf32, #tpu.memory_space<vmem>>, vector<16xf32>,
    tpu.vector_store %arg7[%swap3A_577], %broadcast_in_dim3A_3 {strides = array<i32>} : memref<128xf32, #tpu.memory_space<vmem>>, vector<16xf32>,
    %swap3A_579 = arith.constant 16 : index
    %swap3A_580 = tpu.vector_load %arg7[%swap3A_579] {strides = array<i32>} : memref<128xf32, #tpu.memory_space<vmem>>, vector<16xf32>,
    tpu.vector_store %arg7[%swap3A_579], %broadcast_in_dim3A_3 {strides = array<i32>} : memref<128xf32, #tpu.memory_space<vmem>>, vector<16xf32>,
    %swap3A_581 = arith.constant 32 : index
    %swap3A_582 = tpu.vector_load %arg7[%swap3A_581] {strides = array<i32>} : memref<128xf32, #tpu.memory_space<vmem>>, vector<16xf32>,
    tpu.vector_store %arg7[%swap3A_581], %broadcast_in_dim3A_3 {strides = array<i32>} : memref<128xf32, #tpu.memory_space<vmem>>, vector<16xf32>,
    %swap3A_583 = arith.constant 48 : index
    %swap3A_584 = tpu.vector_load %arg7[%swap3A_583] {strides = array<i32>} : memref<128xf32, #tpu.memory_space<vmem>>, vector<16xf32>,
    tpu.vector_store %arg7[%swap3A_583], %broadcast_in_dim3A_3 {strides = array<i32>} : memref<128xf32, #tpu.memory_space<vmem>>, vector<16xf32>,
    %swap3A_585 = arith.constant 64 : index
    %swap3A_586 = tpu.vector_load %arg7[%swap3A_585] {strides = array<i32>} : memref<128xf32, #tpu.memory_space<vmem>>, vector<16xf32>,
    tpu.vector_store %arg7[%swap3A_585], %broadcast_in_dim3A_3 {strides = array<i32>} : memref<128xf32, #tpu.memory_space<vmem>>, vector<16xf32>,
    %swap3A_587 = arith.constant 80 : index
    %swap3A_588 = tpu.vector_load %arg7[%swap3A_587] {strides = array<i32>} : memref<128xf32, #tpu.memory_space<vmem>>, vector<16xf32>,
    tpu.vector_store %arg7[%swap3A_587], %broadcast_in_dim3A_3 {strides = array<i32>} : memref<128xf32, #tpu.memory_space<vmem>>, vector<16xf32>,
    %swap3A_589 = arith.constant 96 : index
    %swap3A_590 = tpu.vector_load %arg7[%swap3A_589] {strides = array<i32>} : memref<128xf32, #tpu.memory_space<vmem>>, vector<16xf32>,
    tpu.vector_store %arg7[%swap3A_589], %broadcast_in_dim3A_3 {strides = array<i32>} : memref<128xf32, #tpu.memory_space<vmem>>, vector<16xf32>,
    %swap3A_591 = arith.constant 112 : index
    %swap3A_592 = tpu.vector_load %arg7[%swap3A_591] {strides = array<i32>} : memref<128xf32, #tpu.memory_space<vmem>>, vector<16xf32>,
    tpu.vector_store %arg7[%swap3A_591], %broadcast_in_dim3A_3 {strides = array<i32>} : memref<128xf32, #tpu.memory_space<vmem>>, vector<16xf32>,
    %scan3A_593 = arith.constant 0 : i32
    %scan3A_594 = arith.constant 0 : i32
    %scan3A_595 = arith.constant 104 : i32
    %scan3A_596 = arith.addi %scan3A_594, %scan3A_595 : i32
    %scan3A_597 = arith.constant 1 : i32
    scf.for %scan3A_785 = %scan3A_594 to %scan3A_596 step %scan3A_597  : i32 {
      %mul3A_786 = arith.constant 16 : i32
      %mul3A_787 = arith.muli %scan3A_785, %mul3A_786 : i32
      %get3A_788 = arith.index_cast %mul3A_787 : i32 to index
      %get3A_789 = tpu.vector_load %arg5[%get3A_788] {strides = array<i32>} : memref<1664xi32, #tpu.memory_space<vmem>>, vector<16xi32>,
      %mul3A_790 = arith.constant 16 : i32
      %mul3A_791 = arith.muli %scan3A_785, %mul3A_790 : i32
      %get3A_792 = arith.constant 12 : i32
      %get3A_793 = arith.index_cast %get3A_792 : i32 to index
      %get3A_794 = arith.index_cast %mul3A_791 : i32 to index
      %get3A_795 = tpu.vector_load %arg6[%get3A_793, %get3A_794] {strides = array<i32>} : memref<16x1664xf32, #tpu.memory_space<vmem>>, vector<16xf32>,
      tpu.vector_store_idx %arg7[%get3A_789], %get3A_795 {add = true} : memref<128xf32, #tpu.memory_space<vmem>>[vector<16xi32>], vector<16xf32>,
    }
    %scan3A_598 = arith.constant 104 : i32
    %get3A_599 = arith.constant 0 : index
    %get3A_600 = tpu.vector_load %arg7[%get3A_599] {strides = array<i32>} : memref<128xf32, #tpu.memory_space<vmem>>, vector<16xf32>,
    %swap3A_601 = arith.constant 12 : i32
    %swap3A_602 = arith.index_cast %swap3A_601 : i32 to index
    %swap3A_603 = arith.constant 0 : index
    %swap3A_604 = tpu.vector_load %arg8[%swap3A_602, %swap3A_603] {strides = array<i32>} : memref<17x64xf32, #tpu.memory_space<vmem>>, vector<16xf32>,
    tpu.vector_store %arg8[%swap3A_602, %swap3A_603], %get3A_600 {strides = array<i32>} : memref<17x64xf32, #tpu.memory_space<vmem>>, vector<16xf32>,
    %get3A_605 = arith.constant 16 : index
    %get3A_606 = tpu.vector_load %arg7[%get3A_605] {strides = array<i32>} : memref<128xf32, #tpu.memory_space<vmem>>, vector<16xf32>,
    %swap3A_607 = arith.constant 12 : i32
    %swap3A_608 = arith.index_cast %swap3A_607 : i32 to index
    %swap3A_609 = arith.constant 16 : index
    %swap3A_610 = tpu.vector_load %arg8[%swap3A_608, %swap3A_609] {strides = array<i32>} : memref<17x64xf32, #tpu.memory_space<vmem>>, vector<16xf32>,
    tpu.vector_store %arg8[%swap3A_608, %swap3A_609], %get3A_606 {strides = array<i32>} : memref<17x64xf32, #tpu.memory_space<vmem>>, vector<16xf32>,
    %get3A_611 = arith.constant 32 : index
    %get3A_612 = tpu.vector_load %arg7[%get3A_611] {strides = array<i32>} : memref<128xf32, #tpu.memory_space<vmem>>, vector<16xf32>,
    %swap3A_613 = arith.constant 12 : i32
    %swap3A_614 = arith.index_cast %swap3A_613 : i32 to index
    %swap3A_615 = arith.constant 32 : index
    %swap3A_616 = tpu.vector_load %arg8[%swap3A_614, %swap3A_615] {strides = array<i32>} : memref<17x64xf32, #tpu.memory_space<vmem>>, vector<16xf32>,
    tpu.vector_store %arg8[%swap3A_614, %swap3A_615], %get3A_612 {strides = array<i32>} : memref<17x64xf32, #tpu.memory_space<vmem>>, vector<16xf32>,
    %get3A_617 = arith.constant 48 : index
    %get3A_618 = tpu.vector_load %arg7[%get3A_617] {strides = array<i32>} : memref<128xf32, #tpu.memory_space<vmem>>, vector<16xf32>,
    %swap3A_619 = arith.constant 12 : i32
    %swap3A_620 = arith.index_cast %swap3A_619 : i32 to index
    %swap3A_621 = arith.constant 48 : index
    %swap3A_622 = tpu.vector_load %arg8[%swap3A_620, %swap3A_621] {strides = array<i32>} : memref<17x64xf32, #tpu.memory_space<vmem>>, vector<16xf32>,
    tpu.vector_store %arg8[%swap3A_620, %swap3A_621], %get3A_618 {strides = array<i32>} : memref<17x64xf32, #tpu.memory_space<vmem>>, vector<16xf32>,
    %swap3A_623 = arith.constant 0 : index
    %swap3A_624 = tpu.vector_load %arg7[%swap3A_623] {strides = array<i32>} : memref<128xf32, #tpu.memory_space<vmem>>, vector<16xf32>,
    tpu.vector_store %arg7[%swap3A_623], %broadcast_in_dim3A_3 {strides = array<i32>} : memref<128xf32, #tpu.memory_space<vmem>>, vector<16xf32>,
    %swap3A_625 = arith.constant 16 : index
    %swap3A_626 = tpu.vector_load %arg7[%swap3A_625] {strides = array<i32>} : memref<128xf32, #tpu.memory_space<vmem>>, vector<16xf32>,
    tpu.vector_store %arg7[%swap3A_625], %broadcast_in_dim3A_3 {strides = array<i32>} : memref<128xf32, #tpu.memory_space<vmem>>, vector<16xf32>,
    %swap3A_627 = arith.constant 32 : index
    %swap3A_628 = tpu.vector_load %arg7[%swap3A_627] {strides = array<i32>} : memref<128xf32, #tpu.memory_space<vmem>>, vector<16xf32>,
    tpu.vector_store %arg7[%swap3A_627], %broadcast_in_dim3A_3 {strides = array<i32>} : memref<128xf32, #tpu.memory_space<vmem>>, vector<16xf32>,
    %swap3A_629 = arith.constant 48 : index
    %swap3A_630 = tpu.vector_load %arg7[%swap3A_629] {strides = array<i32>} : memref<128xf32, #tpu.memory_space<vmem>>, vector<16xf32>,
    tpu.vector_store %arg7[%swap3A_629], %broadcast_in_dim3A_3 {strides = array<i32>} : memref<128xf32, #tpu.memory_space<vmem>>, vector<16xf32>,
    %swap3A_631 = arith.constant 64 : index
    %swap3A_632 = tpu.vector_load %arg7[%swap3A_631] {strides = array<i32>} : memref<128xf32, #tpu.memory_space<vmem>>, vector<16xf32>,
    tpu.vector_store %arg7[%swap3A_631], %broadcast_in_dim3A_3 {strides = array<i32>} : memref<128xf32, #tpu.memory_space<vmem>>, vector<16xf32>,
    %swap3A_633 = arith.constant 80 : index
    %swap3A_634 = tpu.vector_load %arg7[%swap3A_633] {strides = array<i32>} : memref<128xf32, #tpu.memory_space<vmem>>, vector<16xf32>,
    tpu.vector_store %arg7[%swap3A_633], %broadcast_in_dim3A_3 {strides = array<i32>} : memref<128xf32, #tpu.memory_space<vmem>>, vector<16xf32>,
    %swap3A_635 = arith.constant 96 : index
    %swap3A_636 = tpu.vector_load %arg7[%swap3A_635] {strides = array<i32>} : memref<128xf32, #tpu.memory_space<vmem>>, vector<16xf32>,
    tpu.vector_store %arg7[%swap3A_635], %broadcast_in_dim3A_3 {strides = array<i32>} : memref<128xf32, #tpu.memory_space<vmem>>, vector<16xf32>,
    %swap3A_637 = arith.constant 112 : index
    %swap3A_638 = tpu.vector_load %arg7[%swap3A_637] {strides = array<i32>} : memref<128xf32, #tpu.memory_space<vmem>>, vector<16xf32>,
    tpu.vector_store %arg7[%swap3A_637], %broadcast_in_dim3A_3 {strides = array<i32>} : memref<128xf32, #tpu.memory_space<vmem>>, vector<16xf32>,
    %scan3A_639 = arith.constant 0 : i32
    %scan3A_640 = arith.constant 0 : i32
    %scan3A_641 = arith.constant 104 : i32
    %scan3A_642 = arith.addi %scan3A_640, %scan3A_641 : i32
    %scan3A_643 = arith.constant 1 : i32
    scf.for %scan3A_785 = %scan3A_640 to %scan3A_642 step %scan3A_643  : i32 {
      %mul3A_786 = arith.constant 16 : i32
      %mul3A_787 = arith.muli %scan3A_785, %mul3A_786 : i32
      %get3A_788 = arith.index_cast %mul3A_787 : i32 to index
      %get3A_789 = tpu.vector_load %arg5[%get3A_788] {strides = array<i32>} : memref<1664xi32, #tpu.memory_space<vmem>>, vector<16xi32>,
      %mul3A_790 = arith.constant 16 : i32
      %mul3A_791 = arith.muli %scan3A_785, %mul3A_790 : i32
      %get3A_792 = arith.constant 13 : i32
      %get3A_793 = arith.index_cast %get3A_792 : i32 to index
      %get3A_794 = arith.index_cast %mul3A_791 : i32 to index
      %get3A_795 = tpu.vector_load %arg6[%get3A_793, %get3A_794] {strides = array<i32>} : memref<16x1664xf32, #tpu.memory_space<vmem>>, vector<16xf32>,
      tpu.vector_store_idx %arg7[%get3A_789], %get3A_795 {add = true} : memref<128xf32, #tpu.memory_space<vmem>>[vector<16xi32>], vector<16xf32>,
    }
    %scan3A_644 = arith.constant 104 : i32
    %get3A_645 = arith.constant 0 : index
    %get3A_646 = tpu.vector_load %arg7[%get3A_645] {strides = array<i32>} : memref<128xf32, #tpu.memory_space<vmem>>, vector<16xf32>,
    %swap3A_647 = arith.constant 13 : i32
    %swap3A_648 = arith.index_cast %swap3A_647 : i32 to index
    %swap3A_649 = arith.constant 0 : index
    %swap3A_650 = tpu.vector_load %arg8[%swap3A_648, %swap3A_649] {strides = array<i32>} : memref<17x64xf32, #tpu.memory_space<vmem>>, vector<16xf32>,
    tpu.vector_store %arg8[%swap3A_648, %swap3A_649], %get3A_646 {strides = array<i32>} : memref<17x64xf32, #tpu.memory_space<vmem>>, vector<16xf32>,
    %get3A_651 = arith.constant 16 : index
    %get3A_652 = tpu.vector_load %arg7[%get3A_651] {strides = array<i32>} : memref<128xf32, #tpu.memory_space<vmem>>, vector<16xf32>,
    %swap3A_653 = arith.constant 13 : i32
    %swap3A_654 = arith.index_cast %swap3A_653 : i32 to index
    %swap3A_655 = arith.constant 16 : index
    %swap3A_656 = tpu.vector_load %arg8[%swap3A_654, %swap3A_655] {strides = array<i32>} : memref<17x64xf32, #tpu.memory_space<vmem>>, vector<16xf32>,
    tpu.vector_store %arg8[%swap3A_654, %swap3A_655], %get3A_652 {strides = array<i32>} : memref<17x64xf32, #tpu.memory_space<vmem>>, vector<16xf32>,
    %get3A_657 = arith.constant 32 : index
    %get3A_658 = tpu.vector_load %arg7[%get3A_657] {strides = array<i32>} : memref<128xf32, #tpu.memory_space<vmem>>, vector<16xf32>,
    %swap3A_659 = arith.constant 13 : i32
    %swap3A_660 = arith.index_cast %swap3A_659 : i32 to index
    %swap3A_661 = arith.constant 32 : index
    %swap3A_662 = tpu.vector_load %arg8[%swap3A_660, %swap3A_661] {strides = array<i32>} : memref<17x64xf32, #tpu.memory_space<vmem>>, vector<16xf32>,
    tpu.vector_store %arg8[%swap3A_660, %swap3A_661], %get3A_658 {strides = array<i32>} : memref<17x64xf32, #tpu.memory_space<vmem>>, vector<16xf32>,
    %get3A_663 = arith.constant 48 : index
    %get3A_664 = tpu.vector_load %arg7[%get3A_663] {strides = array<i32>} : memref<128xf32, #tpu.memory_space<vmem>>, vector<16xf32>,
    %swap3A_665 = arith.constant 13 : i32
    %swap3A_666 = arith.index_cast %swap3A_665 : i32 to index
    %swap3A_667 = arith.constant 48 : index
    %swap3A_668 = tpu.vector_load %arg8[%swap3A_666, %swap3A_667] {strides = array<i32>} : memref<17x64xf32, #tpu.memory_space<vmem>>, vector<16xf32>,
    tpu.vector_store %arg8[%swap3A_666, %swap3A_667], %get3A_664 {strides = array<i32>} : memref<17x64xf32, #tpu.memory_space<vmem>>, vector<16xf32>,
    %swap3A_669 = arith.constant 0 : index
    %swap3A_670 = tpu.vector_load %arg7[%swap3A_669] {strides = array<i32>} : memref<128xf32, #tpu.memory_space<vmem>>, vector<16xf32>,
    tpu.vector_store %arg7[%swap3A_669], %broadcast_in_dim3A_3 {strides = array<i32>} : memref<128xf32, #tpu.memory_space<vmem>>, vector<16xf32>,
    %swap3A_671 = arith.constant 16 : index
    %swap3A_672 = tpu.vector_load %arg7[%swap3A_671] {strides = array<i32>} : memref<128xf32, #tpu.memory_space<vmem>>, vector<16xf32>,
    tpu.vector_store %arg7[%swap3A_671], %broadcast_in_dim3A_3 {strides = array<i32>} : memref<128xf32, #tpu.memory_space<vmem>>, vector<16xf32>,
    %swap3A_673 = arith.constant 32 : index
    %swap3A_674 = tpu.vector_load %arg7[%swap3A_673] {strides = array<i32>} : memref<128xf32, #tpu.memory_space<vmem>>, vector<16xf32>,
    tpu.vector_store %arg7[%swap3A_673], %broadcast_in_dim3A_3 {strides = array<i32>} : memref<128xf32, #tpu.memory_space<vmem>>, vector<16xf32>,
    %swap3A_675 = arith.constant 48 : index
    %swap3A_676 = tpu.vector_load %arg7[%swap3A_675] {strides = array<i32>} : memref<128xf32, #tpu.memory_space<vmem>>, vector<16xf32>,
    tpu.vector_store %arg7[%swap3A_675], %broadcast_in_dim3A_3 {strides = array<i32>} : memref<128xf32, #tpu.memory_space<vmem>>, vector<16xf32>,
    %swap3A_677 = arith.constant 64 : index
    %swap3A_678 = tpu.vector_load %arg7[%swap3A_677] {strides = array<i32>} : memref<128xf32, #tpu.memory_space<vmem>>, vector<16xf32>,
    tpu.vector_store %arg7[%swap3A_677], %broadcast_in_dim3A_3 {strides = array<i32>} : memref<128xf32, #tpu.memory_space<vmem>>, vector<16xf32>,
    %swap3A_679 = arith.constant 80 : index
    %swap3A_680 = tpu.vector_load %arg7[%swap3A_679] {strides = array<i32>} : memref<128xf32, #tpu.memory_space<vmem>>, vector<16xf32>,
    tpu.vector_store %arg7[%swap3A_679], %broadcast_in_dim3A_3 {strides = array<i32>} : memref<128xf32, #tpu.memory_space<vmem>>, vector<16xf32>,
    %swap3A_681 = arith.constant 96 : index
    %swap3A_682 = tpu.vector_load %arg7[%swap3A_681] {strides = array<i32>} : memref<128xf32, #tpu.memory_space<vmem>>, vector<16xf32>,
    tpu.vector_store %arg7[%swap3A_681], %broadcast_in_dim3A_3 {strides = array<i32>} : memref<128xf32, #tpu.memory_space<vmem>>, vector<16xf32>,
    %swap3A_683 = arith.constant 112 : index
    %swap3A_684 = tpu.vector_load %arg7[%swap3A_683] {strides = array<i32>} : memref<128xf32, #tpu.memory_space<vmem>>, vector<16xf32>,
    tpu.vector_store %arg7[%swap3A_683], %broadcast_in_dim3A_3 {strides = array<i32>} : memref<128xf32, #tpu.memory_space<vmem>>, vector<16xf32>,
    %scan3A_685 = arith.constant 0 : i32
    %scan3A_686 = arith.constant 0 : i32
    %scan3A_687 = arith.constant 104 : i32
    %scan3A_688 = arith.addi %scan3A_686, %scan3A_687 : i32
    %scan3A_689 = arith.constant 1 : i32
    scf.for %scan3A_785 = %scan3A_686 to %scan3A_688 step %scan3A_689  : i32 {
      %mul3A_786 = arith.constant 16 : i32
      %mul3A_787 = arith.muli %scan3A_785, %mul3A_786 : i32
      %get3A_788 = arith.index_cast %mul3A_787 : i32 to index
      %get3A_789 = tpu.vector_load %arg5[%get3A_788] {strides = array<i32>} : memref<1664xi32, #tpu.memory_space<vmem>>, vector<16xi32>,
      %mul3A_790 = arith.constant 16 : i32
      %mul3A_791 = arith.muli %scan3A_785, %mul3A_790 : i32
      %get3A_792 = arith.constant 14 : i32
      %get3A_793 = arith.index_cast %get3A_792 : i32 to index
      %get3A_794 = arith.index_cast %mul3A_791 : i32 to index
      %get3A_795 = tpu.vector_load %arg6[%get3A_793, %get3A_794] {strides = array<i32>} : memref<16x1664xf32, #tpu.memory_space<vmem>>, vector<16xf32>,
      tpu.vector_store_idx %arg7[%get3A_789], %get3A_795 {add = true} : memref<128xf32, #tpu.memory_space<vmem>>[vector<16xi32>], vector<16xf32>,
    }
    %scan3A_690 = arith.constant 104 : i32
    %get3A_691 = arith.constant 0 : index
    %get3A_692 = tpu.vector_load %arg7[%get3A_691] {strides = array<i32>} : memref<128xf32, #tpu.memory_space<vmem>>, vector<16xf32>,
    %swap3A_693 = arith.constant 14 : i32
    %swap3A_694 = arith.index_cast %swap3A_693 : i32 to index
    %swap3A_695 = arith.constant 0 : index
    %swap3A_696 = tpu.vector_load %arg8[%swap3A_694, %swap3A_695] {strides = array<i32>} : memref<17x64xf32, #tpu.memory_space<vmem>>, vector<16xf32>,
    tpu.vector_store %arg8[%swap3A_694, %swap3A_695], %get3A_692 {strides = array<i32>} : memref<17x64xf32, #tpu.memory_space<vmem>>, vector<16xf32>,
    %get3A_697 = arith.constant 16 : index
    %get3A_698 = tpu.vector_load %arg7[%get3A_697] {strides = array<i32>} : memref<128xf32, #tpu.memory_space<vmem>>, vector<16xf32>,
    %swap3A_699 = arith.constant 14 : i32
    %swap3A_700 = arith.index_cast %swap3A_699 : i32 to index
    %swap3A_701 = arith.constant 16 : index
    %swap3A_702 = tpu.vector_load %arg8[%swap3A_700, %swap3A_701] {strides = array<i32>} : memref<17x64xf32, #tpu.memory_space<vmem>>, vector<16xf32>,
    tpu.vector_store %arg8[%swap3A_700, %swap3A_701], %get3A_698 {strides = array<i32>} : memref<17x64xf32, #tpu.memory_space<vmem>>, vector<16xf32>,
    %get3A_703 = arith.constant 32 : index
    %get3A_704 = tpu.vector_load %arg7[%get3A_703] {strides = array<i32>} : memref<128xf32, #tpu.memory_space<vmem>>, vector<16xf32>,
    %swap3A_705 = arith.constant 14 : i32
    %swap3A_706 = arith.index_cast %swap3A_705 : i32 to index
    %swap3A_707 = arith.constant 32 : index
    %swap3A_708 = tpu.vector_load %arg8[%swap3A_706, %swap3A_707] {strides = array<i32>} : memref<17x64xf32, #tpu.memory_space<vmem>>, vector<16xf32>,
    tpu.vector_store %arg8[%swap3A_706, %swap3A_707], %get3A_704 {strides = array<i32>} : memref<17x64xf32, #tpu.memory_space<vmem>>, vector<16xf32>,
    %get3A_709 = arith.constant 48 : index
    %get3A_710 = tpu.vector_load %arg7[%get3A_709] {strides = array<i32>} : memref<128xf32, #tpu.memory_space<vmem>>, vector<16xf32>,
    %swap3A_711 = arith.constant 14 : i32
    %swap3A_712 = arith.index_cast %swap3A_711 : i32 to index
    %swap3A_713 = arith.constant 48 : index
    %swap3A_714 = tpu.vector_load %arg8[%swap3A_712, %swap3A_713] {strides = array<i32>} : memref<17x64xf32, #tpu.memory_space<vmem>>, vector<16xf32>,
    tpu.vector_store %arg8[%swap3A_712, %swap3A_713], %get3A_710 {strides = array<i32>} : memref<17x64xf32, #tpu.memory_space<vmem>>, vector<16xf32>,
    %swap3A_715 = arith.constant 0 : index
    %swap3A_716 = tpu.vector_load %arg7[%swap3A_715] {strides = array<i32>} : memref<128xf32, #tpu.memory_space<vmem>>, vector<16xf32>,
    tpu.vector_store %arg7[%swap3A_715], %broadcast_in_dim3A_3 {strides = array<i32>} : memref<128xf32, #tpu.memory_space<vmem>>, vector<16xf32>,
    %swap3A_717 = arith.constant 16 : index
    %swap3A_718 = tpu.vector_load %arg7[%swap3A_717] {strides = array<i32>} : memref<128xf32, #tpu.memory_space<vmem>>, vector<16xf32>,
    tpu.vector_store %arg7[%swap3A_717], %broadcast_in_dim3A_3 {strides = array<i32>} : memref<128xf32, #tpu.memory_space<vmem>>, vector<16xf32>,
    %swap3A_719 = arith.constant 32 : index
    %swap3A_720 = tpu.vector_load %arg7[%swap3A_719] {strides = array<i32>} : memref<128xf32, #tpu.memory_space<vmem>>, vector<16xf32>,
    tpu.vector_store %arg7[%swap3A_719], %broadcast_in_dim3A_3 {strides = array<i32>} : memref<128xf32, #tpu.memory_space<vmem>>, vector<16xf32>,
    %swap3A_721 = arith.constant 48 : index
    %swap3A_722 = tpu.vector_load %arg7[%swap3A_721] {strides = array<i32>} : memref<128xf32, #tpu.memory_space<vmem>>, vector<16xf32>,
    tpu.vector_store %arg7[%swap3A_721], %broadcast_in_dim3A_3 {strides = array<i32>} : memref<128xf32, #tpu.memory_space<vmem>>, vector<16xf32>,
    %swap3A_723 = arith.constant 64 : index
    %swap3A_724 = tpu.vector_load %arg7[%swap3A_723] {strides = array<i32>} : memref<128xf32, #tpu.memory_space<vmem>>, vector<16xf32>,
    tpu.vector_store %arg7[%swap3A_723], %broadcast_in_dim3A_3 {strides = array<i32>} : memref<128xf32, #tpu.memory_space<vmem>>, vector<16xf32>,
    %swap3A_725 = arith.constant 80 : index
    %swap3A_726 = tpu.vector_load %arg7[%swap3A_725] {strides = array<i32>} : memref<128xf32, #tpu.memory_space<vmem>>, vector<16xf32>,
    tpu.vector_store %arg7[%swap3A_725], %broadcast_in_dim3A_3 {strides = array<i32>} : memref<128xf32, #tpu.memory_space<vmem>>, vector<16xf32>,
    %swap3A_727 = arith.constant 96 : index
    %swap3A_728 = tpu.vector_load %arg7[%swap3A_727] {strides = array<i32>} : memref<128xf32, #tpu.memory_space<vmem>>, vector<16xf32>,
    tpu.vector_store %arg7[%swap3A_727], %broadcast_in_dim3A_3 {strides = array<i32>} : memref<128xf32, #tpu.memory_space<vmem>>, vector<16xf32>,
    %swap3A_729 = arith.constant 112 : index
    %swap3A_730 = tpu.vector_load %arg7[%swap3A_729] {strides = array<i32>} : memref<128xf32, #tpu.memory_space<vmem>>, vector<16xf32>,
    tpu.vector_store %arg7[%swap3A_729], %broadcast_in_dim3A_3 {strides = array<i32>} : memref<128xf32, #tpu.memory_space<vmem>>, vector<16xf32>,
    %scan3A_731 = arith.constant 0 : i32
    %scan3A_732 = arith.constant 0 : i32
    %scan3A_733 = arith.constant 104 : i32
    %scan3A_734 = arith.addi %scan3A_732, %scan3A_733 : i32
    %scan3A_735 = arith.constant 1 : i32
    scf.for %scan3A_785 = %scan3A_732 to %scan3A_734 step %scan3A_735  : i32 {
      %mul3A_786 = arith.constant 16 : i32
      %mul3A_787 = arith.muli %scan3A_785, %mul3A_786 : i32
      %get3A_788 = arith.index_cast %mul3A_787 : i32 to index
      %get3A_789 = tpu.vector_load %arg5[%get3A_788] {strides = array<i32>} : memref<1664xi32, #tpu.memory_space<vmem>>, vector<16xi32>,
      %mul3A_790 = arith.constant 16 : i32
      %mul3A_791 = arith.muli %scan3A_785, %mul3A_790 : i32
      %get3A_792 = arith.constant 15 : i32
      %get3A_793 = arith.index_cast %get3A_792 : i32 to index
      %get3A_794 = arith.index_cast %mul3A_791 : i32 to index
      %get3A_795 = tpu.vector_load %arg6[%get3A_793, %get3A_794] {strides = array<i32>} : memref<16x1664xf32, #tpu.memory_space<vmem>>, vector<16xf32>,
      tpu.vector_store_idx %arg7[%get3A_789], %get3A_795 {add = true} : memref<128xf32, #tpu.memory_space<vmem>>[vector<16xi32>], vector<16xf32>,
    }
    %scan3A_736 = arith.constant 104 : i32
    %get3A_737 = arith.constant 0 : index
    %get3A_738 = tpu.vector_load %arg7[%get3A_737] {strides = array<i32>} : memref<128xf32, #tpu.memory_space<vmem>>, vector<16xf32>,
    %swap3A_739 = arith.constant 15 : i32
    %swap3A_740 = arith.index_cast %swap3A_739 : i32 to index
    %swap3A_741 = arith.constant 0 : index
    %swap3A_742 = tpu.vector_load %arg8[%swap3A_740, %swap3A_741] {strides = array<i32>} : memref<17x64xf32, #tpu.memory_space<vmem>>, vector<16xf32>,
    tpu.vector_store %arg8[%swap3A_740, %swap3A_741], %get3A_738 {strides = array<i32>} : memref<17x64xf32, #tpu.memory_space<vmem>>, vector<16xf32>,
    %get3A_743 = arith.constant 16 : index
    %get3A_744 = tpu.vector_load %arg7[%get3A_743] {strides = array<i32>} : memref<128xf32, #tpu.memory_space<vmem>>, vector<16xf32>,
    %swap3A_745 = arith.constant 15 : i32
    %swap3A_746 = arith.index_cast %swap3A_745 : i32 to index
    %swap3A_747 = arith.constant 16 : index
    %swap3A_748 = tpu.vector_load %arg8[%swap3A_746, %swap3A_747] {strides = array<i32>} : memref<17x64xf32, #tpu.memory_space<vmem>>, vector<16xf32>,
    tpu.vector_store %arg8[%swap3A_746, %swap3A_747], %get3A_744 {strides = array<i32>} : memref<17x64xf32, #tpu.memory_space<vmem>>, vector<16xf32>,
    %get3A_749 = arith.constant 32 : index
    %get3A_750 = tpu.vector_load %arg7[%get3A_749] {strides = array<i32>} : memref<128xf32, #tpu.memory_space<vmem>>, vector<16xf32>,
    %swap3A_751 = arith.constant 15 : i32
    %swap3A_752 = arith.index_cast %swap3A_751 : i32 to index
    %swap3A_753 = arith.constant 32 : index
    %swap3A_754 = tpu.vector_load %arg8[%swap3A_752, %swap3A_753] {strides = array<i32>} : memref<17x64xf32, #tpu.memory_space<vmem>>, vector<16xf32>,
    tpu.vector_store %arg8[%swap3A_752, %swap3A_753], %get3A_750 {strides = array<i32>} : memref<17x64xf32, #tpu.memory_space<vmem>>, vector<16xf32>,
    %get3A_755 = arith.constant 48 : index
    %get3A_756 = tpu.vector_load %arg7[%get3A_755] {strides = array<i32>} : memref<128xf32, #tpu.memory_space<vmem>>, vector<16xf32>,
    %swap3A_757 = arith.constant 15 : i32
    %swap3A_758 = arith.index_cast %swap3A_757 : i32 to index
    %swap3A_759 = arith.constant 48 : index
    %swap3A_760 = tpu.vector_load %arg8[%swap3A_758, %swap3A_759] {strides = array<i32>} : memref<17x64xf32, #tpu.memory_space<vmem>>, vector<16xf32>,
    tpu.vector_store %arg8[%swap3A_758, %swap3A_759], %get3A_756 {strides = array<i32>} : memref<17x64xf32, #tpu.memory_space<vmem>>, vector<16xf32>,
    %get3A_761 = arith.constant 0 : index
    %get3A_762 = tpu.vector_load %arg9[%get3A_761] {strides = array<i32>} : memref<128xf32, #tpu.memory_space<vmem>>, vector<16xf32>,
    %swap3A_763 = arith.constant 16 : i32
    %swap3A_764 = arith.index_cast %swap3A_763 : i32 to index
    %swap3A_765 = arith.constant 0 : index
    %swap3A_766 = tpu.vector_load %arg8[%swap3A_764, %swap3A_765] {strides = array<i32>} : memref<17x64xf32, #tpu.memory_space<vmem>>, vector<16xf32>,
    tpu.vector_store %arg8[%swap3A_764, %swap3A_765], %get3A_762 {strides = array<i32>} : memref<17x64xf32, #tpu.memory_space<vmem>>, vector<16xf32>,
    %get3A_767 = arith.constant 16 : index
    %get3A_768 = tpu.vector_load %arg9[%get3A_767] {strides = array<i32>} : memref<128xf32, #tpu.memory_space<vmem>>, vector<16xf32>,
    %swap3A_769 = arith.constant 16 : i32
    %swap3A_770 = arith.index_cast %swap3A_769 : i32 to index
    %swap3A_771 = arith.constant 16 : index
    %swap3A_772 = tpu.vector_load %arg8[%swap3A_770, %swap3A_771] {strides = array<i32>} : memref<17x64xf32, #tpu.memory_space<vmem>>, vector<16xf32>,
    tpu.vector_store %arg8[%swap3A_770, %swap3A_771], %get3A_768 {strides = array<i32>} : memref<17x64xf32, #tpu.memory_space<vmem>>, vector<16xf32>,
    %get3A_773 = arith.constant 32 : index
    %get3A_774 = tpu.vector_load %arg9[%get3A_773] {strides = array<i32>} : memref<128xf32, #tpu.memory_space<vmem>>, vector<16xf32>,
    %swap3A_775 = arith.constant 16 : i32
    %swap3A_776 = arith.index_cast %swap3A_775 : i32 to index
    %swap3A_777 = arith.constant 32 : index
    %swap3A_778 = tpu.vector_load %arg8[%swap3A_776, %swap3A_777] {strides = array<i32>} : memref<17x64xf32, #tpu.memory_space<vmem>>, vector<16xf32>,
    tpu.vector_store %arg8[%swap3A_776, %swap3A_777], %get3A_774 {strides = array<i32>} : memref<17x64xf32, #tpu.memory_space<vmem>>, vector<16xf32>,
    %get3A_779 = arith.constant 48 : index
    %get3A_780 = tpu.vector_load %arg9[%get3A_779] {strides = array<i32>} : memref<128xf32, #tpu.memory_space<vmem>>, vector<16xf32>,
    %swap3A_781 = arith.constant 16 : i32
    %swap3A_782 = arith.index_cast %swap3A_781 : i32 to index
    %swap3A_783 = arith.constant 48 : index
    %swap3A_784 = tpu.vector_load %arg8[%swap3A_782, %swap3A_783] {strides = array<i32>} : memref<17x64xf32, #tpu.memory_space<vmem>>, vector<16xf32>,
    tpu.vector_store %arg8[%swap3A_782, %swap3A_783], %get3A_780 {strides = array<i32>} : memref<17x64xf32, #tpu.memory_space<vmem>>, vector<16xf32>,
    "tpu.region"() ({
      %run_scoped3A = tpu.sem_alloc : memref<!tpu.dma_semaphore, #tpu.memory_space<semaphore_mem>>
      %dma_start3A = arith.constant 0 : i32
      %dma_start3A_785 = arith.constant 0 : i32
      %dma_start3A_786 = tpu.memref_slice %arg4[%add3A, %dma_start3A, %dma_start3A_785] : memref<32x17x64xf32, #tpu.memory_space<hbm>> -> memref<1x17x64xf32, #tpu.memory_space<hbm>>
      %dma_start3A_787 = tpu.memref_squeeze %dma_start3A_786 : memref<1x17x64xf32, #tpu.memory_space<hbm>> -> memref<17x64xf32, #tpu.memory_space<hbm>>
      %dma_start3A_788 = arith.constant 0 : i32
      %dma_start3A_789 = arith.constant 0 : i32
      %dma_start3A_790 = tpu.memref_slice %arg4[%add3A, %dma_start3A_788, %dma_start3A_789] : memref<32x17x64xf32, #tpu.memory_space<hbm>> -> memref<1x17x64xf32, #tpu.memory_space<hbm>>
      %dma_start3A_791 = tpu.memref_squeeze %dma_start3A_790 : memref<1x17x64xf32, #tpu.memory_space<hbm>> -> memref<17x64xf32, #tpu.memory_space<hbm>>
      tpu.enqueue_dma source(%arg8 : memref<17x64xf32, #tpu.memory_space<vmem>>) target(%dma_start3A_791 : memref<17x64xf32, #tpu.memory_space<hbm>>) target_semaphore(%run_scoped3A : memref<!tpu.dma_semaphore, #tpu.memory_space<semaphore_mem>>)
      %dma_wait3A = arith.constant 0 : i32
      %dma_wait3A_792 = arith.constant 0 : i32
      %dma_wait3A_793 = tpu.memref_slice %arg4[%add3A, %dma_wait3A, %dma_wait3A_792] : memref<32x17x64xf32, #tpu.memory_space<hbm>> -> memref<1x17x64xf32, #tpu.memory_space<hbm>>
      %dma_wait3A_794 = tpu.memref_squeeze %dma_wait3A_793 : memref<1x17x64xf32, #tpu.memory_space<hbm>> -> memref<17x64xf32, #tpu.memory_space<hbm>>
      %dma_wait3A_795 = arith.constant 0 : i32
      %dma_wait3A_796 = arith.constant 0 : i32
      %dma_wait3A_797 = tpu.memref_slice %arg4[%add3A, %dma_wait3A_795, %dma_wait3A_796] : memref<32x17x64xf32, #tpu.memory_space<hbm>> -> memref<1x17x64xf32, #tpu.memory_space<hbm>>
      %dma_wait3A_798 = tpu.memref_squeeze %dma_wait3A_797 : memref<1x17x64xf32, #tpu.memory_space<hbm>> -> memref<17x64xf32, #tpu.memory_space<hbm>>
      tpu.wait_dma2 semaphore(%run_scoped3A : memref<!tpu.dma_semaphore, #tpu.memory_space<semaphore_mem>>) src(%arg8 : memref<17x64xf32, #tpu.memory_space<vmem>>) dst(%dma_wait3A_798 : memref<17x64xf32, #tpu.memory_space<hbm>>)
      tpu.yield
    }) : () -> ()
    return
  }
}

module attributes {stable_mosaic.version = 14 : i64} {
  func.func @_tc_kernel(%arg0: i32, %arg1: memref<16x20x4096xf32, #tpu.memory_space<vmem>>, %arg2: memref<10x16x4096xf32, #tpu.memory_space<vmem>>, %arg3: memref<16x4096xf32, #tpu.memory_space<vmem>>) attributes {dimension_semantics = [#tpu.dimension_semantics<arbitrary>], iteration_bounds = array<i64: 13>, scalar_prefetch = 0 : i64, scratch_operands = 0 : i64, tpu.core_type = #tpu.core_type<tc>, window_params = [{transform_indices = @transform_0, window_bounds = array<i64: 16, 20, 4096>}, {transform_indices = @transform_1, window_bounds = array<i64: 10, 16, 4096>}, {transform_indices = @transform_2, window_bounds = array<i64: 16, 4096>}]} {
    %iota3A = tpu.iota {dimensions = array<i32: 0>} : vector<16x320xi32>
    %iota3A_0 = tpu.iota {dimensions = array<i32: 1>} : vector<16x320xi32>
    %jit3A = arith.constant 20 : i32
    %div3A = vector.broadcast %jit3A : i32 to vector<16x320xi32>
    %div3A_1 = arith.divsi %iota3A_0, %div3A : vector<16x320xi32>
    %sign3A = arith.constant 0 : i32
    %sign3A_2 = vector.broadcast %sign3A : i32 to vector<16x320xi32>
    %sign3A_3 = arith.cmpi sgt, %iota3A_0, %sign3A_2 : vector<16x320xi32>
    %sign3A_4 = arith.extui %sign3A_3 : vector<16x320xi1> to vector<16x320xi32>
    %sign3A_5 = arith.constant 0 : i32
    %sign3A_6 = vector.broadcast %sign3A_5 : i32 to vector<16x320xi32>
    %sign3A_7 = arith.cmpi slt, %iota3A_0, %sign3A_6 : vector<16x320xi32>
    %sign3A_8 = arith.extui %sign3A_7 : vector<16x320xi1> to vector<16x320xi32>
    %sign3A_9 = arith.subi %sign3A_4, %sign3A_8 : vector<16x320xi32>
    %sign3A_10 = arith.constant 0 : i32
    %sign3A_11 = arith.cmpi sgt, %jit3A, %sign3A_10 : i32
    %sign3A_12 = arith.extui %sign3A_11 : i1 to i32
    %sign3A_13 = arith.constant 0 : i32
    %sign3A_14 = arith.cmpi slt, %jit3A, %sign3A_13 : i32
    %sign3A_15 = arith.extui %sign3A_14 : i1 to i32
    %sign3A_16 = arith.subi %sign3A_12, %sign3A_15 : i32
    %ne3A = vector.broadcast %sign3A_16 : i32 to vector<16x320xi32>
    %ne3A_17 = arith.cmpi ne, %sign3A_9, %ne3A : vector<16x320xi32>
    %rem3A = vector.broadcast %jit3A : i32 to vector<16x320xi32>
    %rem3A_18 = arith.remsi %iota3A_0, %rem3A : vector<16x320xi32>
    %ne3A_19 = arith.constant 0 : i32
    %ne3A_20 = vector.broadcast %ne3A_19 : i32 to vector<16x320xi32>
    %ne3A_21 = arith.cmpi ne, %rem3A_18, %ne3A_20 : vector<16x320xi32>
    %and3A = arith.andi %ne3A_17, %ne3A_21 : vector<16x320xi1>
    %sub3A = arith.constant 1 : i32
    %sub3A_22 = vector.broadcast %sub3A : i32 to vector<16x320xi32>
    %sub3A_23 = arith.subi %div3A_1, %sub3A_22 : vector<16x320xi32>
    %select_n3A = arith.select %and3A, %sub3A_23, %div3A_1 : vector<16x320xi1>, vector<16x320xi32>
    %eq3A = arith.cmpi eq, %select_n3A, %iota3A : vector<16x320xi32>
    %jit3A_24 = arith.constant 5.000000e-02 : f32
    %jit3A_25 = arith.constant 0.000000e+00 : f32
    %broadcast_in_dim3A = vector.broadcast %jit3A_24 : f32 to vector<16x320xf32>
    %broadcast_in_dim3A_26 = vector.broadcast %jit3A_25 : f32 to vector<16x320xf32>
    %select_n3A_27 = arith.select %eq3A, %broadcast_in_dim3A, %broadcast_in_dim3A_26 : vector<16x320xi1>, vector<16x320xf32>
    %get3A = arith.constant 0 : index
    %get3A_28 = arith.constant 0 : index
    %get3A_29 = arith.constant 0 : index
    %get3A_30 = vector.load %arg1[%get3A, %get3A_28, %get3A_29] : memref<16x20x4096xf32, #tpu.memory_space<vmem>>, vector<16x20x4096xf32>
    %reshape3A = vector.shape_cast %get3A_30 : vector<16x20x4096xf32> to vector<320x4096xf32>
    %dot_general3A = arith.constant dense<0.000000e+00> : vector<16x4096xf32>
    %dot_general3A_31 = tpu.matmul %select_n3A_27, %reshape3A, %dot_general3A {dimension_numbers = #tpu.dot_dimension_numbers<[1], [0], [0], [1], [0, 0, 1, 1], [], []>, transpose_lhs_hint = false} : vector<16x320xf32>, vector<320x4096xf32>, vector<16x4096xf32> -> vector<16x4096xf32>
    %mul3A = arith.constant 4096 : i32
    %mul3A_32 = arith.muli %arg0, %mul3A : i32
    %iota3A_33 = tpu.iota {dimensions = array<i32: 1>} : vector<1x4096xi32>
    %add3A = vector.broadcast %mul3A_32 : i32 to vector<1x4096xi32>
    %add3A_34 = arith.addi %add3A, %iota3A_33 : vector<1x4096xi32>
    %lt3A = arith.constant 50000 : i32
    %lt3A_35 = vector.broadcast %lt3A : i32 to vector<1x4096xi32>
    %lt3A_36 = arith.cmpi slt, %add3A_34, %lt3A_35 : vector<1x4096xi32>
    %jit3A_37 = arith.constant 0.000000e+00 : f32
    %broadcast_in_dim3A_38 = vector.shape_cast %lt3A_36 : vector<1x4096xi1> to vector<1x4096xi1>
    %broadcast_in_dim3A_39 = vector.broadcast %broadcast_in_dim3A_38 : vector<1x4096xi1> to vector<16x4096xi1>
    %broadcast_in_dim3A_40 = vector.broadcast %jit3A_37 : f32 to vector<16x4096xf32>
    %select_n3A_41 = arith.select %broadcast_in_dim3A_39, %dot_general3A_31, %broadcast_in_dim3A_40 : vector<16x4096xi1>, vector<16x4096xf32>
    %broadcast_in_dim3A_42 = vector.shape_cast %select_n3A_41 : vector<16x4096xf32> to vector<1x16x4096xf32>
    %broadcast_in_dim3A_43 = vector.shape_cast %broadcast_in_dim3A_42 : vector<1x16x4096xf32> to vector<1x16x4096xf32>
    %broadcast_in_dim3A_44 = vector.broadcast %broadcast_in_dim3A_43 : vector<1x16x4096xf32> to vector<10x16x4096xf32>
    %swap3A = arith.constant 0 : index
    %swap3A_45 = arith.constant 0 : index
    %swap3A_46 = arith.constant 0 : index
    %swap3A_47 = vector.load %arg2[%swap3A, %swap3A_45, %swap3A_46] : memref<10x16x4096xf32, #tpu.memory_space<vmem>>, vector<10x16x4096xf32>
    tpu.vector_store %arg2[%swap3A, %swap3A_45, %swap3A_46], %broadcast_in_dim3A_44 {strides = array<i32>} : memref<10x16x4096xf32, #tpu.memory_space<vmem>>, vector<10x16x4096xf32>,
    %swap3A_48 = arith.constant 0 : index
    %swap3A_49 = arith.constant 0 : index
    %swap3A_50 = vector.load %arg3[%swap3A_48, %swap3A_49] : memref<16x4096xf32, #tpu.memory_space<vmem>>, vector<16x4096xf32>
    tpu.vector_store %arg3[%swap3A_48, %swap3A_49], %select_n3A_41 {strides = array<i32>} : memref<16x4096xf32, #tpu.memory_space<vmem>>, vector<16x4096xf32>,
    return
  }
  func.func @transform_0(%arg0: i32) -> (i32, i32, i32) {
    %c0_i32 = arith.constant 0 : i32
    %c0_i32_0 = arith.constant 0 : i32
    %c0_i32_1 = arith.constant 0 : i32
    return %c0_i32, %c0_i32_0, %arg0 : i32, i32, i32
  }
  func.func @transform_1(%arg0: i32) -> (i32, i32, i32) {
    %c0_i32 = arith.constant 0 : i32
    %c0_i32_0 = arith.constant 0 : i32
    %c0_i32_1 = arith.constant 0 : i32
    return %c0_i32, %c0_i32_0, %arg0 : i32, i32, i32
  }
  func.func @transform_2(%arg0: i32) -> (i32, i32) {
    %c0_i32 = arith.constant 0 : i32
    %c0_i32_0 = arith.constant 0 : i32
    return %c0_i32, %arg0 : i32, i32
  }
}

</mosaic_0001>

<sc_bundles>
// kernel: kernel.4.cloned.1.call-start
scs
__scs_entry_jumppad:
0x0: {  	(pc) =	sbr.rel $0x88, $3  }
0x1: {  	(tag) =	ssettag $0x0;
	lr =	simm.s32 $0x1  }
0x2: {  	[smem:$0x3F9F] =	sst lr;
	_ =	strace $0xD0000000  }
0x3: {  	_ = 	snop  }
0x4: {  	_ = 	snop  }
0x5: {  	_ = 	snop  }
0x6: {  	_ = 	snop  }
0x7: {  	_ = 	snop  }
__scs_overlays_trampoline_lowered:
0x8: {  	[smem:$0x3FAE] =	sst s0  }
0x9: {  	[smem:$0x3FAF] =	sst s1  }
0xa: {  	[smem:$0x3FB0] =	sst s2  }
0xb: {  	[smem:$0x3FB1] =	sst s3  }
0xc: {  	[smem:$0x3FB2] =	sst s4  }
0xd: {  	[smem:$0x3FB3] =	sst s5  }
0xe: {  	[smem:$0x3FB4] =	sst s6  }
0xf: {  	[smem:$0x3FB5] =	sst s7  }
0x10: {  	[smem:$0x3FB6] =	sst s8  }
0x11: {  	[smem:$0x3FB7] =	sst s9;
	s0 =	simm.s32 @!p0 $0x0  }
0x12: {  	s1 =	sld [smem:$0x3F9D];
	s0 =	simm.s32 @p0 $0x1  }
0x13: {  	[smem:$0x3FB8] =	sst s0;
	s0 =	simm.s32 @!p1 $0x0  }
0x14: {  	s2 =	sld [smem:$0x3F9C];
	s0 =	simm.s32 @p1 $0x1  }
0x15: {  	[smem:$0x3FB9] =	sst s0;
	s0 =	simm.s32 @!p2 $0x0  }
0x16: {  	s3 =	sld [smem:$0x3FDB];
	s0 =	simm.s32 @p2 $0x1  }
0x17: {  	s4 =	simm.s32 $0x1BF5;
	[smem:$0x3FBB] =	sst s0  }
0x18: {  	s0 =	sld [smem:$0x3F9E];
	_ =	swait.ge [sflag:s4], $0x0  }
0x19: {  	s7 =	sld [smem:$0x3F9F]  }
0x1a: {  	s8 =	sadd.s32 $0xFFFFE003, lr  }
0x1b: {  	s9 =	sadd.s32 $0xFFFFFEF7, lr;
	s5 =	simm.s32 $0xFFFFFFFF;
	p2 =	slt.u32 s8, $0xFFFFF086  }
0x1c: {  	p1 =	slt.u32 s9, $0xF7A;
	s5 =	simm.s32 @!p2 $0x0  }
0x1d: {  	s5 =	simm.s32 @p1 $0x1;
	p0 =	seq.s32 s7, s2  }
0x1e: {  	s7 =	smul.u32 @!p0 $0xF7A, s2;
	p2 =	seq.s32 @!p0 s5, $0x0  }
0x1f: {  	s9 =	smul.u32 $0xF7A, s1;
	s8 =	simm.s32 @!p0 $0x1BF5;
	p2 =	por !p2, p0  }
0x20: {  	[sflag:s8] =	ssyncset.s32 @!p0 $0xFFFFF086;
	s6 =	sadd.s32 @!p0 s3, s7;
	s7 =	simm.s32 @!p0 $0x108  }
0x21: {  	s3 =	sadd.s32 s3, s9;
	s6 =	sadd.s32 @!p0 $0x88, s6;
	s7 =	simm.s32 @p2 $0x1082  }
0x22: {  	[simem:s7], [sflag:s8] =	dma.local @!p0 [hbm:s6], $0xF7A  }
0x23: {  	s9 =	sor.u32 $0xD0000000, s2;
	s6 =	simm.s32 $0x108;
	_ =	swait.ge @!p0 [sflag:s8], $0x0  }
0x24: {  	s3 =	sadd.s32 $0x88, s3;
	s6 =	simm.s32 @!p1 $0x1082;
	[sflag:s4] =	ssyncset.s32 $0xFFFFF086  }
0x25: {  	[simem:s6], [sflag:s4] =	dma.local [hbm:s3], $0xF7A  }
0x26: {  	[smem:$0x3F9F] =	sst s1;
	(tag) =	ssettag s2;
	_ =	strace s9  }
0x27: {  	s1 =	sld [smem:$0x3FAF]  }
0x28: {  	s2 =	sld [smem:$0x3FB0]  }
0x29: {  	s4 =	sld [smem:$0x3FB2]  }
0x2a: {  	p0 =	seq.s32 s5, $0x0;
	s5 =	sld [smem:$0x3FB3]  }
0x2b: {  	s6 =	sld [smem:$0x3FB4]  }
0x2c: {  	s7 =	sld [smem:$0x3FB5]  }
0x2d: {  	s3 =	simm.s32 $0x108;
	s8 =	sld [smem:$0x3FB6]  }
0x2e: {  	s3 =	simm.s32 @!p0 $0x1082;
	s9 =	sld [smem:$0x3FB7]  }
0x2f: {  	lr =	sadd.s32 s0, s3;
	s0 =	sld [smem:$0x3FAE]  }
0x30: {  	s3 =	sld [smem:$0x3FB1]  }
0x31: {  	[smem:$0x3FBA] =	sst s10  }
0x32: {  	s10 =	sld [smem:$0x3FB8];
	_ =	sdelay $0x3  }
0x33: {  	p0 =	seq.s32 s10, $0x1;
	s10 =	sld [smem:$0x3FBA];
	_ =	sdelay $0x3  }
0x34: {  	[smem:$0x3FBA] =	sst s10  }
0x35: {  	s10 =	sld [smem:$0x3FB9];
	_ =	sdelay $0x3  }
0x36: {  	p1 =	seq.s32 s10, $0x1;
	s10 =	sld [smem:$0x3FBA];
	_ =	sdelay $0x3  }
0x37: {  	[smem:$0x3FBA] =	sst s10  }
0x38: {  	s10 =	sld [smem:$0x3FBB]  }
0x39: {  	_ = 	snop;
	(pc) =	sbr.ind lr, $3  }
0x3a: {  	_ = 	snop  }
0x3b: {  	_ = 	snop  }
0x3c: {  	p2 =	seq.s32 s10, $0x1;
	s10 =	sld [smem:$0x3FBA]  }
0x3d: {  	_ =	shalt  }
0x3e: {  	_ =	shalt  }
0x3f: {  	_ =	shalt  }
0x40: {  	_ =	shalt  }
0x41: {  	_ =	shalt  }
0x42: {  	_ =	shalt  }
0x43: {  	_ =	shalt  }
0x44: {  	_ =	shalt  }
0x45: {  	_ =	shalt  }
0x46: {  	_ =	shalt  }
0x47: {  	_ =	shalt  }
0x48: {  	_ =	shalt  }
0x49: {  	_ =	shalt  }
0x4a: {  	_ =	shalt  }
0x4b: {  	_ =	shalt  }
0x4c: {  	_ =	shalt  }
0x4d: {  	_ =	shalt  }
0x4e: {  	_ =	shalt  }
0x4f: {  	_ =	shalt  }
0x50: {  	_ =	shalt  }
0x51: {  	_ =	shalt  }
0x52: {  	_ =	shalt  }
0x53: {  	_ =	shalt  }
0x54: {  	_ =	shalt  }
0x55: {  	_ =	shalt  }
0x56: {  	_ =	shalt  }
0x57: {  	_ =	shalt  }
0x58: {  	_ =	shalt  }
0x59: {  	_ =	shalt  }
0x5a: {  	_ =	shalt  }
0x5b: {  	_ =	shalt  }
0x5c: {  	_ =	shalt  }
0x5d: {  	_ =	shalt  }
0x5e: {  	_ =	shalt  }
0x5f: {  	_ =	shalt  }
0x60: {  	_ =	shalt  }
0x61: {  	_ =	shalt  }
0x62: {  	_ =	shalt  }
0x63: {  	_ =	shalt  }
0x64: {  	_ =	shalt  }
0x65: {  	_ =	shalt  }
0x66: {  	_ =	shalt  }
0x67: {  	_ =	shalt  }
0x68: {  	_ =	shalt  }
0x69: {  	_ =	shalt  }
0x6a: {  	_ =	shalt  }
0x6b: {  	_ =	shalt  }
0x6c: {  	_ =	shalt  }
0x6d: {  	_ =	shalt  }
0x6e: {  	_ =	shalt  }
0x6f: {  	_ =	shalt  }
0x70: {  	_ =	shalt  }
0x71: {  	_ =	shalt  }
0x72: {  	_ =	shalt  }
0x73: {  	_ =	shalt  }
0x74: {  	_ =	shalt  }
0x75: {  	_ =	shalt  }
0x76: {  	_ =	shalt  }
0x77: {  	_ =	shalt  }
0x78: {  	_ =	shalt  }
0x79: {  	_ =	shalt  }
0x7a: {  	_ =	shalt  }
0x7b: {  	_ =	shalt  }
0x7c: {  	_ =	shalt  }
0x7d: {  	_ =	shalt  }
0x7e: {  	_ =	shalt  }
0x7f: {  	_ =	shalt  }
0x80: {  	_ =	shalt  }
0x81: {  	_ =	shalt  }
0x82: {  	_ =	shalt  }
0x83: {  	_ =	shalt  }
0x84: {  	_ =	shalt  }
0x85: {  	_ =	shalt  }
0x86: {  	_ =	shalt  }
0x87: {  	_ =	shalt  }
.Lfunc_end0:
.L_simem_size_0:
called_computation.1_lowered:
.L_overlay_start_0:
0x88: {  	s2 =	sld [smem:$0x3FD9]  }
0x89: {  	s3 =	sld [smem:$0x3FFE];
	_ =	sdelay $0x1  }
0x8a: {  	s1 =	srdreg.scid  }
0x8b: {  	s0 =	sand.u32 $0x1, s1  }
0x8c: {  	s16 =	sshll.u32 s0, $0xA;
	s2 =	sadd.s32 s3, s2  }
0x8d: {  	s2 =	sadd.s32 s2, s16  }
0x8e: {  	[smem:$0x3FC6] =	sst s2  }
0x8f: {  	_ = 	snop  }
0x90: {  	(tm) =	ssettm $0x1  }
0x91: {  	s17 =	sld [smem:$0x3FFB];
	_ =	sdelay $0x3  }
0x92: {  	_ =	strace s17  }
0x93: {  	s2 =	sld [smem:$0x3FFC];
	_ =	sdelay $0x3  }
0x94: {  	_ =	strace s2  }
0x95: {  	s2 =	sld [smem:$0x3FFD];
	_ =	sdelay $0x3  }
0x96: {  	_ =	strace s2  }
0x97: {  	_ =	strace $0x8FFFFFFF  }
0x98: {  	s18 =	sld [smem:$0x3FDB];
	_ =	sdelay $0x1  }
0x99: {  	s19 =	simm.s32 $_scs_section_size  }
0x9a: {  	s4 =	simm.s32 $_size__tile_overlayer_lowered;
	s5 =	simm.s32 $_tile_overlayer_lowered  }
0x9b: {  	s22 =	simm.s32 $0x1BFF;
	s21 =	sshll.u32 s5, $0x1;
	s2 =	sadd.s32 s19, s18  }
0x9c: {  	s6 =	simm.s32 $0x0;
	s20 =	sshll.u32 s4, $0x1;
	s4 =	sadd.s32 s21, s2  }
0x9d: {  	[timem:s6], [sflag:s22] =	dma.local [hbm:s4], s20  }
0x9e: {  	_ =	swait.ge [sflag:s22], s20  }
0x9f: {  	s3 =	ssub.s32 $0x0, s20;
	[sflag:s22] =	ssyncset.done $0x0  }
0xa0: {  	[sflag:s22] =	ssyncadd.s32 s3;
	_ =	sdelay $0x1  }
0xa1: {  	s23 =	simm.s32 $0x1B8B  }
0xa2: {  	_ =	swait.ge [sflag:s23], $0x1  }
0xa3: {  	[sflag:s23] =	ssyncset.done $0x0  }
0xa4: {  	s25 =	simm.s32 $0x1B8E;
	s24 =	sld [smem:$0x3FFE];
	[sflag:s23] =	ssyncadd.s32 $0xFFFFFFFF  }
0xa5: {  	s26 =	simm.s32 $execute0_lowered;
	[smem:$0x3FD2] =	sst s25  }
0xa6: {  	s4 =	sshll.u32 s26, $0x1;
	_ =	strace $0x80000049;
	[dreg:$0x1] =	wrdreg $0xFFFFFFFF  }
0xa7: {  	s28 =	simm.s32 $_size_execute0_lowered;
	s2 =	sadd.s32 s2, s4;
	[dreg:$0x0] =	wrdreg $0x0  }
0xa8: {  	s4 =	sshll.u32 s28, $0x1;
	[dreg:$0x2] =	wrdreg s2  }
0xa9: {  	[dreg:$0x3] =	wrdreg s4  }
0xaa: {  	[dreg:$0x4] =	wrdreg $0xC0  }
0xab: {  	_ =	task [dreg:s6], $0x5FFFF  }
0xac: {  	[dreg:$0x1] =	wrdreg $0xFFFFFFFF  }
0xad: {  	[dreg:$0x0] =	wrdreg $0x60  }
0xae: {  	[dreg:$0x2] =	wrdreg s24  }
0xaf: {  	[dreg:$0x3] =	wrdreg $0x9  }
0xb0: {  	_ =	task.clear_ibuf [dreg:s6], $0x4FFFF;
	_ =	strace $0x90000049  }
0xb1: {  	s29 =	simm.s32 $0x9;
	_ =	strace $0x8000004B  }
0xb2: {  	_ =	swait.ge [sflag:s29], $0x1  }
0xb3: {  	[sflag:s29] =	ssyncadd.s32 $0xFFFFFFFF  }
0xb4: {  	_ =	strace $0x9000004B  }
0xb5: {  	_ =	sfence  }
0xb6: {  	s30 =	sld [smem:$0x0];
	_ =	sdelay $0x2  }
0xb7: {  	s31 =	sshll.u32 s1, $0xD;
	s1 =	sshrl.u32 s1, $0x2  }
0xb8: {  	s3 =	sand.u32 $0x4000, s31;
	s1 =	sadd.s32 s1, s30  }
0xb9: {  	s0 =	sor.u32 s3, s0;
	s1 =	sshll.u32 s1, $0x11  }
0xba: {  	s0 =	sor.u32 s1, s0  }
0xbb: {  	s0 =	sadd.s32 $0x8F2B, s0  }
0xbc: {  	[sflag:s0] =	ssyncadd.remote.s32 $0x1  }
0xbd: {  	_ =	sfence.sel $0xFFFF  }
0xbe: {  	[dreg:$0x0] =	wrdreg $0xFFFFFFFF;
	(pc) =	sbr.abs _section_cstart, $3  }
0xbf: {  	[dreg:$0x1] =	wrdreg $0xFFFFFFFF  }
0xc0: {  	_ =	task.clear_ibuf [dreg:s6], $0x2FFFF;
	_ =	strace $0x9FFFFFFF  }
0xc1: {  	(tm) =	ssettm $0x7FFFFFFF  }
tec
execute0_lowered:
.L_overlay_start_1:
0x0: {  	(tag) =	ssettag $0x1  }
0x1: {  	s1 =	srdreg.scid  }
0x2: {  	s0 =	stileid.u32;
	s5 =	rddreg [dreg:$0x0];
	s2 =	simm.s32 $0x0  }
0x3: {  	s9 =	simm.s32 $0x68000;
	s3 =	sand.u32 $0x1, s1;
	s31 =	sshll.u32 s0, $0x1  }
0x4: {  	s10 =	simm.s32 $0x680;
	s11 =	simm.s32 $0x7B00;
	s4 =	sor.u32 s3, s31  }
0x5: {  	s12 =	simm.s32 $0x6E80;
	s13 =	simm.s32 $0x6F00;
	s6 =	smul.u32 $0x680, s4  }
0x6: {  	s14 =	simm.s32 $0x0;
	s3 =	ssub.s32 $0x2, s3;
	s7 =	smul.u32 $0xD0, s4  }
0x7: {  	[smem:$0x7FF] =	sst s2;
	s4 =	smul.u32 $0x180, s4;
	s8 =	sshrl.u32 s3, $0x1  }
0x8: {  	s1 =	rddreg [dreg:$0x1];
	_ =	strace $0x8000004A;
	s8 =	ssub.s32 s3, s8  }
0x9: {  	s6 =	sadd.s32 s6, s5;
	s7 =	sadd.s32 s7, s5;
	s5 =	sadd.s32 s4, s5  }
0xa: {  	s3 =	sadd.s32 $0x433E00, s7;
	s4 =	sadd.s32 $0xA00, s6;
	s5 =	sadd.s32 $0x1AA00, s5  }
0xb: {  	v0 =	vimm.f32 $0.0e+00;
	v1 =	vimm.f32 $1.000000000e+00;
	s6 =	smax.u32 s8, $0x1;
	s7 =	simm.s32 $0x1;
	s8 =	simm.s32 $0x3400  }
.LBB2_1:
0xc: {  	[tilespmem:s2], [sflag:$0x1] =	stream.linear.gather [hbm4b:s3+s2], $0x680, $0x38;
	[tilespmem:$0x7B80] =	vst v63  }
0xd: {  	_ =	swait.ge [sflag:s7], $0x680  }
0xe: {  	[sflag:s7] =	ssyncset.done $0x0  }
0xf: {  	[sflag:s7] =	ssyncadd.s32 $0xFFFFF980  }
0x10: {  	[tilespmem:s10], [sflag:$0x1] =	stream.strided.gather [hbm4b:s4+s8], $0x6800, s9, s8, $0x38;
	[tilespmem:$0x7B80] =	vst v63  }
0x11: {  	_ =	swait.ge [sflag:s7], $0x6800  }
0x12: {  	[sflag:s7] =	ssyncset.done $0x0  }
0x13: {  	[sflag:s7] =	ssyncadd.s32 $0xFFFF9800  }
0x14: {  	[tilespmem:$0x7B00] =	vst v0  }
0x15: {  	[tilespmem:$0x7B10] =	vst v0  }
0x16: {  	[tilespmem:$0x7B20] =	vst v0  }
0x17: {  	[tilespmem:$0x7B30] =	vst v0  }
0x18: {  	[tilespmem:$0x7B40] =	vst v0  }
0x19: {  	[tilespmem:$0x7B50] =	vst v0  }
0x1a: {  	[tilespmem:$0x7B60] =	vst v0  }
0x1b: {  	s16 =	simm.s32 $0x0;
	s15 =	simm.s32 $0x40;
	[tilespmem:$0x7B70] =	vst v0  }
.LBB2_2:
0x1c: {  	p0 =	sne.s32 s15, $0x19C0;
	v2 =	vld [tilespmem:s16+$0x0];
	_ =	sdelay $0x3  }
.Ltmp0:
0x1d: {  	(pc) =	sbr.rel @p0 .LBB2_2-.Ltmp0, $2  }
0x1e: {  	_ =	sdelay $0x2  }
0x1f: {  	s16 =	sshra.s32 s15, $0x2;
	s15 =	sadd.s32 $0x40, s15;
	[tilespmem:v2+s11+$0x0] =	vst.idx.add.f32.msk $0xffff, v1  }
0x20: {  	v2 =	vld [tilespmem:s16+$0x0];
	_ =	sdelay $0x7  }
0x21: {  	[tilespmem:v2+s11+$0x0] =	vst.idx.add.f32.msk $0xffff, v1  }
0x22: {  	[tilespmem:$0x6E80] =	vst v0  }
0x23: {  	[tilespmem:$0x6E90] =	vst v0  }
0x24: {  	[tilespmem:$0x6EA0] =	vst v0  }
0x25: {  	[tilespmem:$0x6EB0] =	vst v0  }
0x26: {  	[tilespmem:$0x6EC0] =	vst v0  }
0x27: {  	[tilespmem:$0x6ED0] =	vst v0  }
0x28: {  	[tilespmem:$0x6EE0] =	vst v0  }
0x29: {  	s17 =	simm.s32 $0x0;
	[tilespmem:$0x6EF0] =	vst v0  }
0x2a: {  	s16 =	simm.s32 $0x10;
	s15 =	simm.s32 $0x0;
	s18 =	simm.s32 $0x0;
	v2 =	vld [tilespmem:s17+$0x0]  }
.LBB2_4:
0x2b: {  	p0 =	sne.s32 s16, $0x670;
	s17 =	sand.u32 $0x70, s17;
	s19 =	sand.u32 $0x3C00, s15  }
0x2c: {  	s19 =	sor.u32 s17, s19;
	s17 =	smov.u32 s16  }
0x2d: {  	v3 =	vld [tilespmem:s19+$0x680];
	_ =	sdelay $0x1  }
.Ltmp1:
0x2e: {  	(pc) =	sbr.rel @p0 .LBB2_4-.Ltmp1, $3  }
0x2f: {  	_ =	sdelay $0x1  }
0x30: {  	s18 =	sadd.s32 $0x10, s18;
	[tilespmem:v2+s12+$0x0] =	vst.idx.add.f32.msk $0xffff, v3  }
0x31: {  	s15 =	sadd.s32 $0x80, s15;
	s16 =	sadd.s32 $0x10, s16;
	v2 =	vld [tilespmem:s18+$0x0]  }
0x32: {  	_ = 	snop  }
0x33: {  	s16 =	sand.u32 $0x70, s17;
	s15 =	sand.u32 $0x3C00, s15  }
0x34: {  	s15 =	sor.u32 s16, s15  }
0x35: {  	v3 =	vld [tilespmem:s15+$0x680];
	_ =	sdelay $0x4  }
0x36: {  	[tilespmem:v2+s12+$0x0] =	vst.idx.add.f32.msk $0xffff, v3  }
0x37: {  	v2 =	vld [tilespmem:$0x6E80];
	[tilespmem:$0x6E80] =	vst v0  }
0x38: {  	v3 =	vld [tilespmem:$0x6E90];
	[tilespmem:$0x6E90] =	vst v0  }
0x39: {  	v4 =	vld [tilespmem:$0x6EA0];
	[tilespmem:$0x6EA0] =	vst v0  }
0x3a: {  	v5 =	vld [tilespmem:$0x6EB0];
	[tilespmem:$0x6EB0] =	vst v0  }
0x3b: {  	[tilespmem:$0x6EC0] =	vst v0  }
0x3c: {  	[tilespmem:$0x6ED0] =	vst v0  }
0x3d: {  	[tilespmem:$0x6EE0] =	vst v0  }
0x3e: {  	[tilespmem:$0x6EF0] =	vst v0  }
0x3f: {  	[tilespmem:$0x6F00] =	vst v2  }
0x40: {  	[tilespmem:$0x6F10] =	vst v3  }
0x41: {  	[tilespmem:$0x6F20] =	vst v4  }
0x42: {  	s17 =	simm.s32 $0x0;
	[tilespmem:$0x6F30] =	vst v5  }
0x43: {  	s18 =	simm.s32 $0x0;
	s16 =	simm.s32 $0x10;
	s15 =	simm.s32 $0x0;
	v2 =	vld [tilespmem:s17+$0x0]  }
.LBB2_6:
0x44: {  	p0 =	sne.s32 s16, $0x670;
	s17 =	sand.u32 $0x70, s17;
	s19 =	sand.u32 $0x3C00, s15  }
0x45: {  	s19 =	sor.u32 s17, s19;
	s17 =	smov.u32 s16  }
0x46: {  	v3 =	vld [tilespmem:s19+$0x700];
	_ =	sdelay $0x1  }
.Ltmp2:
0x47: {  	(pc) =	sbr.rel @p0 .LBB2_6-.Ltmp2, $3  }
0x48: {  	_ =	sdelay $0x1  }
0x49: {  	s18 =	sadd.s32 $0x10, s18;
	[tilespmem:v2+s12+$0x0] =	vst.idx.add.f32.msk $0xffff, v3  }
0x4a: {  	s15 =	sadd.s32 $0x80, s15;
	s16 =	sadd.s32 $0x10, s16;
	v2 =	vld [tilespmem:s18+$0x0]  }
0x4b: {  	_ = 	snop  }
0x4c: {  	s16 =	sand.u32 $0x70, s17;
	s15 =	sand.u32 $0x3C00, s15  }
0x4d: {  	s15 =	sor.u32 s16, s15  }
0x4e: {  	v3 =	vld [tilespmem:s15+$0x700];
	_ =	sdelay $0x4  }
0x4f: {  	[tilespmem:v2+s12+$0x0] =	vst.idx.add.f32.msk $0xffff, v3  }
0x50: {  	v2 =	vld [tilespmem:$0x6E80];
	[tilespmem:$0x6E80] =	vst v0  }
0x51: {  	v3 =	vld [tilespmem:$0x6E90];
	[tilespmem:$0x6E90] =	vst v0  }
0x52: {  	v4 =	vld [tilespmem:$0x6EA0];
	[tilespmem:$0x6EA0] =	vst v0  }
0x53: {  	v5 =	vld [tilespmem:$0x6EB0];
	[tilespmem:$0x6EB0] =	vst v0  }
0x54: {  	[tilespmem:$0x6EC0] =	vst v0  }
0x55: {  	[tilespmem:$0x6ED0] =	vst v0  }
0x56: {  	[tilespmem:$0x6EE0] =	vst v0  }
0x57: {  	[tilespmem:$0x6EF0] =	vst v0  }
0x58: {  	[tilespmem:$0x6F80] =	vst v2  }
0x59: {  	[tilespmem:$0x6F90] =	vst v3  }
0x5a: {  	[tilespmem:$0x6FA0] =	vst v4  }
0x5b: {  	s17 =	simm.s32 $0x0;
	[tilespmem:$0x6FB0] =	vst v5  }
0x5c: {  	s18 =	simm.s32 $0x0;
	s16 =	simm.s32 $0x10;
	s15 =	simm.s32 $0x0;
	v2 =	vld [tilespmem:s17+$0x0]  }
.LBB2_8:
0x5d: {  	p0 =	sne.s32 s16, $0x670;
	s17 =	sand.u32 $0x70, s17;
	s19 =	sand.u32 $0x3C00, s15  }
0x5e: {  	s19 =	sor.u32 s17, s19;
	s17 =	smov.u32 s16  }
0x5f: {  	v3 =	vld [tilespmem:s19+$0x780];
	_ =	sdelay $0x1  }
.Ltmp3:
0x60: {  	(pc) =	sbr.rel @p0 .LBB2_8-.Ltmp3, $3  }
0x61: {  	_ =	sdelay $0x1  }
0x62: {  	s18 =	sadd.s32 $0x10, s18;
	[tilespmem:v2+s12+$0x0] =	vst.idx.add.f32.msk $0xffff, v3  }
0x63: {  	s15 =	sadd.s32 $0x80, s15;
	s16 =	sadd.s32 $0x10, s16;
	v2 =	vld [tilespmem:s18+$0x0]  }
0x64: {  	_ = 	snop  }
0x65: {  	s16 =	sand.u32 $0x70, s17;
	s15 =	sand.u32 $0x3C00, s15  }
0x66: {  	s15 =	sor.u32 s16, s15  }
0x67: {  	v3 =	vld [tilespmem:s15+$0x780];
	_ =	sdelay $0x4  }
0x68: {  	[tilespmem:v2+s12+$0x0] =	vst.idx.add.f32.msk $0xffff, v3  }
0x69: {  	v2 =	vld [tilespmem:$0x6E80];
	[tilespmem:$0x6E80] =	vst v0  }
0x6a: {  	v3 =	vld [tilespmem:$0x6E90];
	[tilespmem:$0x6E90] =	vst v0  }
0x6b: {  	v4 =	vld [tilespmem:$0x6EA0];
	[tilespmem:$0x6EA0] =	vst v0  }
0x6c: {  	v5 =	vld [tilespmem:$0x6EB0];
	[tilespmem:$0x6EB0] =	vst v0  }
0x6d: {  	[tilespmem:$0x6EC0] =	vst v0  }
0x6e: {  	[tilespmem:$0x6ED0] =	vst v0  }
0x6f: {  	[tilespmem:$0x6EE0] =	vst v0  }
0x70: {  	[tilespmem:$0x6EF0] =	vst v0  }
0x71: {  	[tilespmem:$0x7000] =	vst v2  }
0x72: {  	[tilespmem:$0x7010] =	vst v3  }
0x73: {  	[tilespmem:$0x7020] =	vst v4  }
0x74: {  	s17 =	simm.s32 $0x0;
	[tilespmem:$0x7030] =	vst v5  }
0x75: {  	s18 =	simm.s32 $0x0;
	s16 =	simm.s32 $0x10;
	s15 =	simm.s32 $0x0;
	v2 =	vld [tilespmem:s17+$0x0]  }
.LBB2_10:
0x76: {  	p0 =	sne.s32 s16, $0x670;
	s17 =	sand.u32 $0x70, s17;
	s19 =	sand.u32 $0x3C00, s15  }
0x77: {  	s19 =	sor.u32 s17, s19;
	s17 =	smov.u32 s16  }
0x78: {  	v3 =	vld [tilespmem:s19+$0x800];
	_ =	sdelay $0x1  }
.Ltmp4:
0x79: {  	(pc) =	sbr.rel @p0 .LBB2_10-.Ltmp4, $3  }
0x7a: {  	_ =	sdelay $0x1  }
0x7b: {  	s18 =	sadd.s32 $0x10, s18;
	[tilespmem:v2+s12+$0x0] =	vst.idx.add.f32.msk $0xffff, v3  }
0x7c: {  	s15 =	sadd.s32 $0x80, s15;
	s16 =	sadd.s32 $0x10, s16;
	v2 =	vld [tilespmem:s18+$0x0]  }
0x7d: {  	_ = 	snop  }
0x7e: {  	s16 =	sand.u32 $0x70, s17;
	s15 =	sand.u32 $0x3C00, s15  }
0x7f: {  	s15 =	sor.u32 s16, s15  }
0x80: {  	v3 =	vld [tilespmem:s15+$0x800];
	_ =	sdelay $0x4  }
0x81: {  	[tilespmem:v2+s12+$0x0] =	vst.idx.add.f32.msk $0xffff, v3  }
0x82: {  	v2 =	vld [tilespmem:$0x6E80];
	[tilespmem:$0x6E80] =	vst v0  }
0x83: {  	v3 =	vld [tilespmem:$0x6E90];
	[tilespmem:$0x6E90] =	vst v0  }
0x84: {  	v4 =	vld [tilespmem:$0x6EA0];
	[tilespmem:$0x6EA0] =	vst v0  }
0x85: {  	v5 =	vld [tilespmem:$0x6EB0];
	[tilespmem:$0x6EB0] =	vst v0  }
0x86: {  	[tilespmem:$0x6EC0] =	vst v0  }
0x87: {  	[tilespmem:$0x6ED0] =	vst v0  }
0x88: {  	[tilespmem:$0x6EE0] =	vst v0  }
0x89: {  	[tilespmem:$0x6EF0] =	vst v0  }
0x8a: {  	[tilespmem:$0x7080] =	vst v2  }
0x8b: {  	[tilespmem:$0x7090] =	vst v3  }
0x8c: {  	[tilespmem:$0x70A0] =	vst v4  }
0x8d: {  	s17 =	simm.s32 $0x0;
	[tilespmem:$0x70B0] =	vst v5  }
0x8e: {  	s18 =	simm.s32 $0x0;
	s16 =	simm.s32 $0x10;
	s15 =	simm.s32 $0x0;
	v2 =	vld [tilespmem:s17+$0x0]  }
.LBB2_12:
0x8f: {  	p0 =	sne.s32 s16, $0x670;
	s17 =	sand.u32 $0x70, s17;
	s19 =	sand.u32 $0x3C00, s15  }
0x90: {  	s19 =	sor.u32 s17, s19;
	s17 =	smov.u32 s16  }
0x91: {  	v3 =	vld [tilespmem:s19+$0x880];
	_ =	sdelay $0x1  }
.Ltmp5:
0x92: {  	(pc) =	sbr.rel @p0 .LBB2_12-.Ltmp5, $3  }
0x93: {  	_ =	sdelay $0x1  }
0x94: {  	s18 =	sadd.s32 $0x10, s18;
	[tilespmem:v2+s12+$0x0] =	vst.idx.add.f32.msk $0xffff, v3  }
0x95: {  	s15 =	sadd.s32 $0x80, s15;
	s16 =	sadd.s32 $0x10, s16;
	v2 =	vld [tilespmem:s18+$0x0]  }
0x96: {  	_ = 	snop  }
0x97: {  	s16 =	sand.u32 $0x70, s17;
	s15 =	sand.u32 $0x3C00, s15  }
0x98: {  	s15 =	sor.u32 s16, s15  }
0x99: {  	v3 =	vld [tilespmem:s15+$0x880];
	_ =	sdelay $0x4  }
0x9a: {  	[tilespmem:v2+s12+$0x0] =	vst.idx.add.f32.msk $0xffff, v3  }
0x9b: {  	v2 =	vld [tilespmem:$0x6E80];
	[tilespmem:$0x6E80] =	vst v0  }
0x9c: {  	v3 =	vld [tilespmem:$0x6E90];
	[tilespmem:$0x6E90] =	vst v0  }
0x9d: {  	v4 =	vld [tilespmem:$0x6EA0];
	[tilespmem:$0x6EA0] =	vst v0  }
0x9e: {  	v5 =	vld [tilespmem:$0x6EB0];
	[tilespmem:$0x6EB0] =	vst v0  }
0x9f: {  	[tilespmem:$0x6EC0] =	vst v0  }
0xa0: {  	[tilespmem:$0x6ED0] =	vst v0  }
0xa1: {  	[tilespmem:$0x6EE0] =	vst v0  }
0xa2: {  	[tilespmem:$0x6EF0] =	vst v0  }
0xa3: {  	[tilespmem:$0x7100] =	vst v2  }
0xa4: {  	[tilespmem:$0x7110] =	vst v3  }
0xa5: {  	[tilespmem:$0x7120] =	vst v4  }
0xa6: {  	s17 =	simm.s32 $0x0;
	[tilespmem:$0x7130] =	vst v5  }
0xa7: {  	s18 =	simm.s32 $0x0;
	s16 =	simm.s32 $0x10;
	s15 =	simm.s32 $0x0;
	v2 =	vld [tilespmem:s17+$0x0]  }
.LBB2_14:
0xa8: {  	p0 =	sne.s32 s16, $0x670;
	s17 =	sand.u32 $0x70, s17;
	s19 =	sand.u32 $0x3C00, s15  }
0xa9: {  	s19 =	sor.u32 s17, s19;
	s17 =	smov.u32 s16  }
0xaa: {  	v3 =	vld [tilespmem:s19+$0x900];
	_ =	sdelay $0x1  }
.Ltmp6:
0xab: {  	(pc) =	sbr.rel @p0 .LBB2_14-.Ltmp6, $3  }
0xac: {  	_ =	sdelay $0x1  }
0xad: {  	s18 =	sadd.s32 $0x10, s18;
	[tilespmem:v2+s12+$0x0] =	vst.idx.add.f32.msk $0xffff, v3  }
0xae: {  	s15 =	sadd.s32 $0x80, s15;
	s16 =	sadd.s32 $0x10, s16;
	v2 =	vld [tilespmem:s18+$0x0]  }
0xaf: {  	_ = 	snop  }
0xb0: {  	s16 =	sand.u32 $0x70, s17;
	s15 =	sand.u32 $0x3C00, s15  }
0xb1: {  	s15 =	sor.u32 s16, s15  }
0xb2: {  	v3 =	vld [tilespmem:s15+$0x900];
	_ =	sdelay $0x4  }
0xb3: {  	[tilespmem:v2+s12+$0x0] =	vst.idx.add.f32.msk $0xffff, v3  }
0xb4: {  	v2 =	vld [tilespmem:$0x6E80];
	[tilespmem:$0x6E80] =	vst v0  }
0xb5: {  	v3 =	vld [tilespmem:$0x6E90];
	[tilespmem:$0x6E90] =	vst v0  }
0xb6: {  	v4 =	vld [tilespmem:$0x6EA0];
	[tilespmem:$0x6EA0] =	vst v0  }
0xb7: {  	v5 =	vld [tilespmem:$0x6EB0];
	[tilespmem:$0x6EB0] =	vst v0  }
0xb8: {  	[tilespmem:$0x6EC0] =	vst v0  }
0xb9: {  	[tilespmem:$0x6ED0] =	vst v0  }
0xba: {  	[tilespmem:$0x6EE0] =	vst v0  }
0xbb: {  	[tilespmem:$0x6EF0] =	vst v0  }
0xbc: {  	[tilespmem:$0x7180] =	vst v2  }
0xbd: {  	[tilespmem:$0x7190] =	vst v3  }
0xbe: {  	[tilespmem:$0x71A0] =	vst v4  }
0xbf: {  	s17 =	simm.s32 $0x0;
	[tilespmem:$0x71B0] =	vst v5  }
0xc0: {  	s18 =	simm.s32 $0x0;
	s16 =	simm.s32 $0x10;
	s15 =	simm.s32 $0x0;
	v2 =	vld [tilespmem:s17+$0x0]  }
.LBB2_16:
0xc1: {  	p0 =	sne.s32 s16, $0x670;
	s17 =	sand.u32 $0x70, s17;
	s19 =	sand.u32 $0x3C00, s15  }
0xc2: {  	s19 =	sor.u32 s17, s19;
	s17 =	smov.u32 s16  }
0xc3: {  	v3 =	vld [tilespmem:s19+$0x980];
	_ =	sdelay $0x1  }
.Ltmp7:
0xc4: {  	(pc) =	sbr.rel @p0 .LBB2_16-.Ltmp7, $3  }
0xc5: {  	_ =	sdelay $0x1  }
0xc6: {  	s18 =	sadd.s32 $0x10, s18;
	[tilespmem:v2+s12+$0x0] =	vst.idx.add.f32.msk $0xffff, v3  }
0xc7: {  	s15 =	sadd.s32 $0x80, s15;
	s16 =	sadd.s32 $0x10, s16;
	v2 =	vld [tilespmem:s18+$0x0]  }
0xc8: {  	_ = 	snop  }
0xc9: {  	s16 =	sand.u32 $0x70, s17;
	s15 =	sand.u32 $0x3C00, s15  }
0xca: {  	s15 =	sor.u32 s16, s15  }
0xcb: {  	v3 =	vld [tilespmem:s15+$0x980];
	_ =	sdelay $0x4  }
0xcc: {  	[tilespmem:v2+s12+$0x0] =	vst.idx.add.f32.msk $0xffff, v3  }
0xcd: {  	v2 =	vld [tilespmem:$0x6E80];
	[tilespmem:$0x6E80] =	vst v0  }
0xce: {  	v3 =	vld [tilespmem:$0x6E90];
	[tilespmem:$0x6E90] =	vst v0  }
0xcf: {  	v4 =	vld [tilespmem:$0x6EA0];
	[tilespmem:$0x6EA0] =	vst v0  }
0xd0: {  	v5 =	vld [tilespmem:$0x6EB0];
	[tilespmem:$0x6EB0] =	vst v0  }
0xd1: {  	[tilespmem:$0x6EC0] =	vst v0  }
0xd2: {  	[tilespmem:$0x6ED0] =	vst v0  }
0xd3: {  	[tilespmem:$0x6EE0] =	vst v0  }
0xd4: {  	[tilespmem:$0x6EF0] =	vst v0  }
0xd5: {  	[tilespmem:$0x7200] =	vst v2  }
0xd6: {  	[tilespmem:$0x7210] =	vst v3  }
0xd7: {  	s15 =	simm.s32 $0x0;
	[tilespmem:$0x7220] =	vst v4  }
0xd8: {  	s31 =	sand.u32 $0x7, s15;
	[tilespmem:$0x7230] =	vst v5  }
0xd9: {  	s16 =	sshll.u32 s31, $0x4;
	v2 =	vld [tilespmem:s15+$0x0]  }
0xda: {  	s16 =	sadd.s32 $0x0, s16  }
0xdb: {  	s16 =	sor.u32 $0x380, s16  }
0xdc: {  	v3 =	vld [tilespmem:s16+$0x680];
	_ =	sdelay $0x3  }
0xdd: {  	s17 =	simm.s32 $0x1  }
0xde: {  	s18 =	simm.s32 $0x20;
	s19 =	sand.u32 $0x7, s17;
	s16 =	simm.s32 $0x10;
	[tilespmem:v2+s12+$0x0] =	vst.idx.add.f32.msk $0xffff, v3  }
.LBB2_18:
0xdf: {  	p0 =	sne.s32 s18, $0x670;
	s19 =	sshll.u32 s19, $0x4;
	v2 =	vld [tilespmem:s16+$0x0];
	s15 =	sadd.s32 $0x80, s15  }
0xe0: {  	s19 =	sadd.s32 s19, s15  }
0xe1: {  	s19 =	sor.u32 $0x380, s19  }
0xe2: {  	v3 =	vld [tilespmem:s19+$0x680]  }
.Ltmp8:
0xe3: {  	(pc) =	sbr.rel @p0 .LBB2_18-.Ltmp8, $3  }
0xe4: {  	_ =	sdelay $0x1  }
0xe5: {  	s17 =	sadd.s32 $0x1, s17  }
0xe6: {  	s18 =	sadd.s32 $0x10, s18;
	s16 =	sadd.s32 $0x10, s16;
	s19 =	sand.u32 $0x7, s17;
	[tilespmem:v2+s12+$0x0] =	vst.idx.add.f32.msk $0xffff, v3  }
0xe7: {  	s17 =	sshll.u32 s19, $0x4;
	v2 =	vld [tilespmem:s16+$0x0];
	s15 =	sadd.s32 $0x80, s15  }
0xe8: {  	s15 =	sadd.s32 s17, s15  }
0xe9: {  	s15 =	sor.u32 $0x380, s15  }
0xea: {  	v3 =	vld [tilespmem:s15+$0x680];
	_ =	sdelay $0x4  }
0xeb: {  	[tilespmem:v2+s12+$0x0] =	vst.idx.add.f32.msk $0xffff, v3  }
0xec: {  	v2 =	vld [tilespmem:$0x6E80];
	[tilespmem:$0x6E80] =	vst v0  }
0xed: {  	v3 =	vld [tilespmem:$0x6E90];
	[tilespmem:$0x6E90] =	vst v0  }
0xee: {  	v4 =	vld [tilespmem:$0x6EA0];
	[tilespmem:$0x6EA0] =	vst v0  }
0xef: {  	v5 =	vld [tilespmem:$0x6EB0];
	[tilespmem:$0x6EB0] =	vst v0  }
0xf0: {  	[tilespmem:$0x6EC0] =	vst v0  }
0xf1: {  	[tilespmem:$0x6ED0] =	vst v0  }
0xf2: {  	[tilespmem:$0x6EE0] =	vst v0  }
0xf3: {  	[tilespmem:$0x6EF0] =	vst v0  }
0xf4: {  	[tilespmem:$0x7280] =	vst v2  }
0xf5: {  	[tilespmem:$0x7290] =	vst v3  }
0xf6: {  	[tilespmem:$0x72A0] =	vst v4  }
0xf7: {  	s17 =	simm.s32 $0x0;
	[tilespmem:$0x72B0] =	vst v5  }
0xf8: {  	s16 =	simm.s32 $0x10;
	s18 =	simm.s32 $0x0;
	s15 =	simm.s32 $0x0;
	v2 =	vld [tilespmem:s17+$0x0]  }
.LBB2_20:
0xf9: {  	p0 =	sne.s32 s16, $0x670;
	s17 =	sand.u32 $0x70, s17;
	s19 =	sand.u32 $0x3C00, s15  }
0xfa: {  	s19 =	sor.u32 s17, s19;
	s17 =	smov.u32 s16  }
0xfb: {  	v3 =	vld [tilespmem:s19+$0x3A80];
	_ =	sdelay $0x1  }
.Ltmp9:
0xfc: {  	(pc) =	sbr.rel @p0 .LBB2_20-.Ltmp9, $3  }
0xfd: {  	_ =	sdelay $0x1  }
0xfe: {  	s18 =	sadd.s32 $0x10, s18;
	[tilespmem:v2+s12+$0x0] =	vst.idx.add.f32.msk $0xffff, v3  }
0xff: {  	s15 =	sadd.s32 $0x80, s15;
	s16 =	sadd.s32 $0x10, s16;
	v2 =	vld [tilespmem:s18+$0x0]  }
0x100: {  	_ = 	snop  }
0x101: {  	s16 =	sand.u32 $0x70, s17;
	s15 =	sand.u32 $0x3C00, s15  }
0x102: {  	s15 =	sor.u32 s16, s15  }
0x103: {  	v3 =	vld [tilespmem:s15+$0x3A80];
	_ =	sdelay $0x4  }
0x104: {  	[tilespmem:v2+s12+$0x0] =	vst.idx.add.f32.msk $0xffff, v3  }
0x105: {  	v2 =	vld [tilespmem:$0x6E80];
	[tilespmem:$0x6E80] =	vst v0  }
0x106: {  	v3 =	vld [tilespmem:$0x6E90];
	[tilespmem:$0x6E90] =	vst v0  }
0x107: {  	v4 =	vld [tilespmem:$0x6EA0];
	[tilespmem:$0x6EA0] =	vst v0  }
0x108: {  	v5 =	vld [tilespmem:$0x6EB0];
	[tilespmem:$0x6EB0] =	vst v0  }
0x109: {  	[tilespmem:$0x6EC0] =	vst v0  }
0x10a: {  	[tilespmem:$0x6ED0] =	vst v0  }
0x10b: {  	[tilespmem:$0x6EE0] =	vst v0  }
0x10c: {  	[tilespmem:$0x6EF0] =	vst v0  }
0x10d: {  	[tilespmem:$0x7300] =	vst v2  }
0x10e: {  	[tilespmem:$0x7310] =	vst v3  }
0x10f: {  	[tilespmem:$0x7320] =	vst v4  }
0x110: {  	s17 =	simm.s32 $0x0;
	[tilespmem:$0x7330] =	vst v5  }
0x111: {  	s18 =	simm.s32 $0x0;
	s16 =	simm.s32 $0x10;
	s15 =	simm.s32 $0x0;
	v2 =	vld [tilespmem:s17+$0x0]  }
.LBB2_22:
0x112: {  	p0 =	sne.s32 s16, $0x670;
	s17 =	sand.u32 $0x70, s17;
	s19 =	sand.u32 $0x3C00, s15  }
0x113: {  	s19 =	sor.u32 s17, s19;
	s17 =	smov.u32 s16  }
0x114: {  	v3 =	vld [tilespmem:s19+$0x3B00];
	_ =	sdelay $0x1  }
.Ltmp10:
0x115: {  	(pc) =	sbr.rel @p0 .LBB2_22-.Ltmp10, $3  }
0x116: {  	_ =	sdelay $0x1  }
0x117: {  	s18 =	sadd.s32 $0x10, s18;
	[tilespmem:v2+s12+$0x0] =	vst.idx.add.f32.msk $0xffff, v3  }
0x118: {  	s15 =	sadd.s32 $0x80, s15;
	s16 =	sadd.s32 $0x10, s16;
	v2 =	vld [tilespmem:s18+$0x0]  }
0x119: {  	_ = 	snop  }
0x11a: {  	s16 =	sand.u32 $0x70, s17;
	s15 =	sand.u32 $0x3C00, s15  }
0x11b: {  	s15 =	sor.u32 s16, s15  }
0x11c: {  	v3 =	vld [tilespmem:s15+$0x3B00];
	_ =	sdelay $0x4  }
0x11d: {  	[tilespmem:v2+s12+$0x0] =	vst.idx.add.f32.msk $0xffff, v3  }
0x11e: {  	v2 =	vld [tilespmem:$0x6E80];
	[tilespmem:$0x6E80] =	vst v0  }
0x11f: {  	v3 =	vld [tilespmem:$0x6E90];
	[tilespmem:$0x6E90] =	vst v0  }
0x120: {  	v4 =	vld [tilespmem:$0x6EA0];
	[tilespmem:$0x6EA0] =	vst v0  }
0x121: {  	v5 =	vld [tilespmem:$0x6EB0];
	[tilespmem:$0x6EB0] =	vst v0  }
0x122: {  	[tilespmem:$0x6EC0] =	vst v0  }
0x123: {  	[tilespmem:$0x6ED0] =	vst v0  }
0x124: {  	[tilespmem:$0x6EE0] =	vst v0  }
0x125: {  	[tilespmem:$0x6EF0] =	vst v0  }
0x126: {  	[tilespmem:$0x7380] =	vst v2  }
0x127: {  	[tilespmem:$0x7390] =	vst v3  }
0x128: {  	[tilespmem:$0x73A0] =	vst v4  }
0x129: {  	s17 =	simm.s32 $0x0;
	[tilespmem:$0x73B0] =	vst v5  }
0x12a: {  	s18 =	simm.s32 $0x0;
	s16 =	simm.s32 $0x10;
	s15 =	simm.s32 $0x0;
	v2 =	vld [tilespmem:s17+$0x0]  }
.LBB2_24:
0x12b: {  	p0 =	sne.s32 s16, $0x670;
	s17 =	sand.u32 $0x70, s17;
	s19 =	sand.u32 $0x3C00, s15  }
0x12c: {  	s19 =	sor.u32 s17, s19;
	s17 =	smov.u32 s16  }
0x12d: {  	v3 =	vld [tilespmem:s19+$0x3B80];
	_ =	sdelay $0x1  }
.Ltmp11:
0x12e: {  	(pc) =	sbr.rel @p0 .LBB2_24-.Ltmp11, $3  }
0x12f: {  	_ =	sdelay $0x1  }
0x130: {  	s18 =	sadd.s32 $0x10, s18;
	[tilespmem:v2+s12+$0x0] =	vst.idx.add.f32.msk $0xffff, v3  }
0x131: {  	s15 =	sadd.s32 $0x80, s15;
	s16 =	sadd.s32 $0x10, s16;
	v2 =	vld [tilespmem:s18+$0x0]  }
0x132: {  	_ = 	snop  }
0x133: {  	s16 =	sand.u32 $0x70, s17;
	s15 =	sand.u32 $0x3C00, s15  }
0x134: {  	s15 =	sor.u32 s16, s15  }
0x135: {  	v3 =	vld [tilespmem:s15+$0x3B80];
	_ =	sdelay $0x4  }
0x136: {  	[tilespmem:v2+s12+$0x0] =	vst.idx.add.f32.msk $0xffff, v3  }
0x137: {  	v2 =	vld [tilespmem:$0x6E80];
	[tilespmem:$0x6E80] =	vst v0  }
0x138: {  	v3 =	vld [tilespmem:$0x6E90];
	[tilespmem:$0x6E90] =	vst v0  }
0x139: {  	v4 =	vld [tilespmem:$0x6EA0];
	[tilespmem:$0x6EA0] =	vst v0  }
0x13a: {  	v5 =	vld [tilespmem:$0x6EB0];
	[tilespmem:$0x6EB0] =	vst v0  }
0x13b: {  	[tilespmem:$0x6EC0] =	vst v0  }
0x13c: {  	[tilespmem:$0x6ED0] =	vst v0  }
0x13d: {  	[tilespmem:$0x6EE0] =	vst v0  }
0x13e: {  	[tilespmem:$0x6EF0] =	vst v0  }
0x13f: {  	[tilespmem:$0x7400] =	vst v2  }
0x140: {  	[tilespmem:$0x7410] =	vst v3  }
0x141: {  	[tilespmem:$0x7420] =	vst v4  }
0x142: {  	s17 =	simm.s32 $0x0;
	[tilespmem:$0x7430] =	vst v5  }
0x143: {  	s18 =	simm.s32 $0x0;
	s16 =	simm.s32 $0x10;
	s15 =	simm.s32 $0x0;
	v2 =	vld [tilespmem:s17+$0x0]  }
.LBB2_26:
0x144: {  	p0 =	sne.s32 s16, $0x670;
	s17 =	sand.u32 $0x70, s17;
	s19 =	sand.u32 $0x3C00, s15  }
0x145: {  	s19 =	sor.u32 s17, s19;
	s17 =	smov.u32 s16  }
0x146: {  	v3 =	vld [tilespmem:s19+$0x3C00];
	_ =	sdelay $0x1  }
.Ltmp12:
0x147: {  	(pc) =	sbr.rel @p0 .LBB2_26-.Ltmp12, $3  }
0x148: {  	_ =	sdelay $0x1  }
0x149: {  	s18 =	sadd.s32 $0x10, s18;
	[tilespmem:v2+s12+$0x0] =	vst.idx.add.f32.msk $0xffff, v3  }
0x14a: {  	s15 =	sadd.s32 $0x80, s15;
	s16 =	sadd.s32 $0x10, s16;
	v2 =	vld [tilespmem:s18+$0x0]  }
0x14b: {  	_ = 	snop  }
0x14c: {  	s16 =	sand.u32 $0x70, s17;
	s15 =	sand.u32 $0x3C00, s15  }
0x14d: {  	s15 =	sor.u32 s16, s15  }
0x14e: {  	v3 =	vld [tilespmem:s15+$0x3C00];
	_ =	sdelay $0x4  }
0x14f: {  	[tilespmem:v2+s12+$0x0] =	vst.idx.add.f32.msk $0xffff, v3  }
0x150: {  	v2 =	vld [tilespmem:$0x6E80];
	[tilespmem:$0x6E80] =	vst v0  }
0x151: {  	v3 =	vld [tilespmem:$0x6E90];
	[tilespmem:$0x6E90] =	vst v0  }
0x152: {  	v4 =	vld [tilespmem:$0x6EA0];
	[tilespmem:$0x6EA0] =	vst v0  }
0x153: {  	v5 =	vld [tilespmem:$0x6EB0];
	[tilespmem:$0x6EB0] =	vst v0  }
0x154: {  	[tilespmem:$0x6EC0] =	vst v0  }
0x155: {  	[tilespmem:$0x6ED0] =	vst v0  }
0x156: {  	[tilespmem:$0x6EE0] =	vst v0  }
0x157: {  	[tilespmem:$0x6EF0] =	vst v0  }
0x158: {  	[tilespmem:$0x7480] =	vst v2  }
0x159: {  	[tilespmem:$0x7490] =	vst v3  }
0x15a: {  	[tilespmem:$0x74A0] =	vst v4  }
0x15b: {  	s17 =	simm.s32 $0x0;
	[tilespmem:$0x74B0] =	vst v5  }
0x15c: {  	s18 =	simm.s32 $0x0;
	s16 =	simm.s32 $0x10;
	s15 =	simm.s32 $0x0;
	v2 =	vld [tilespmem:s17+$0x0]  }
.LBB2_28:
0x15d: {  	p0 =	sne.s32 s16, $0x670;
	s17 =	sand.u32 $0x70, s17;
	s19 =	sand.u32 $0x3C00, s15  }
0x15e: {  	s19 =	sor.u32 s17, s19;
	s17 =	smov.u32 s16  }
0x15f: {  	v3 =	vld [tilespmem:s19+$0x3C80];
	_ =	sdelay $0x1  }
.Ltmp13:
0x160: {  	(pc) =	sbr.rel @p0 .LBB2_28-.Ltmp13, $3  }
0x161: {  	_ =	sdelay $0x1  }
0x162: {  	s18 =	sadd.s32 $0x10, s18;
	[tilespmem:v2+s12+$0x0] =	vst.idx.add.f32.msk $0xffff, v3  }
0x163: {  	s15 =	sadd.s32 $0x80, s15;
	s16 =	sadd.s32 $0x10, s16;
	v2 =	vld [tilespmem:s18+$0x0]  }
0x164: {  	_ = 	snop  }
0x165: {  	s16 =	sand.u32 $0x70, s17;
	s15 =	sand.u32 $0x3C00, s15  }
0x166: {  	s15 =	sor.u32 s16, s15  }
0x167: {  	v3 =	vld [tilespmem:s15+$0x3C80];
	_ =	sdelay $0x4  }
0x168: {  	[tilespmem:v2+s12+$0x0] =	vst.idx.add.f32.msk $0xffff, v3  }
0x169: {  	v2 =	vld [tilespmem:$0x6E80];
	[tilespmem:$0x6E80] =	vst v0  }
0x16a: {  	v3 =	vld [tilespmem:$0x6E90];
	[tilespmem:$0x6E90] =	vst v0  }
0x16b: {  	v4 =	vld [tilespmem:$0x6EA0];
	[tilespmem:$0x6EA0] =	vst v0  }
0x16c: {  	v5 =	vld [tilespmem:$0x6EB0];
	[tilespmem:$0x6EB0] =	vst v0  }
0x16d: {  	[tilespmem:$0x6EC0] =	vst v0  }
0x16e: {  	[tilespmem:$0x6ED0] =	vst v0  }
0x16f: {  	[tilespmem:$0x6EE0] =	vst v0  }
0x170: {  	[tilespmem:$0x6EF0] =	vst v0  }
0x171: {  	[tilespmem:$0x7500] =	vst v2  }
0x172: {  	[tilespmem:$0x7510] =	vst v3  }
0x173: {  	[tilespmem:$0x7520] =	vst v4  }
0x174: {  	s17 =	simm.s32 $0x0;
	[tilespmem:$0x7530] =	vst v5  }
0x175: {  	s18 =	simm.s32 $0x0;
	s16 =	simm.s32 $0x10;
	s15 =	simm.s32 $0x0;
	v2 =	vld [tilespmem:s17+$0x0]  }
.LBB2_30:
0x176: {  	p0 =	sne.s32 s16, $0x670;
	s17 =	sand.u32 $0x70, s17;
	s19 =	sand.u32 $0x3C00, s15  }
0x177: {  	s19 =	sor.u32 s17, s19;
	s17 =	smov.u32 s16  }
0x178: {  	v3 =	vld [tilespmem:s19+$0x3D00];
	_ =	sdelay $0x1  }
.Ltmp14:
0x179: {  	(pc) =	sbr.rel @p0 .LBB2_30-.Ltmp14, $3  }
0x17a: {  	_ =	sdelay $0x1  }
0x17b: {  	s18 =	sadd.s32 $0x10, s18;
	[tilespmem:v2+s12+$0x0] =	vst.idx.add.f32.msk $0xffff, v3  }
0x17c: {  	s15 =	sadd.s32 $0x80, s15;
	s16 =	sadd.s32 $0x10, s16;
	v2 =	vld [tilespmem:s18+$0x0]  }
0x17d: {  	_ = 	snop  }
0x17e: {  	s16 =	sand.u32 $0x70, s17;
	s15 =	sand.u32 $0x3C00, s15  }
0x17f: {  	s15 =	sor.u32 s16, s15  }
0x180: {  	v3 =	vld [tilespmem:s15+$0x3D00];
	_ =	sdelay $0x4  }
0x181: {  	[tilespmem:v2+s12+$0x0] =	vst.idx.add.f32.msk $0xffff, v3  }
0x182: {  	v2 =	vld [tilespmem:$0x6E80];
	[tilespmem:$0x6E80] =	vst v0  }
0x183: {  	v3 =	vld [tilespmem:$0x6E90];
	[tilespmem:$0x6E90] =	vst v0  }
0x184: {  	v4 =	vld [tilespmem:$0x6EA0];
	[tilespmem:$0x6EA0] =	vst v0  }
0x185: {  	v5 =	vld [tilespmem:$0x6EB0];
	[tilespmem:$0x6EB0] =	vst v0  }
0x186: {  	[tilespmem:$0x6EC0] =	vst v0  }
0x187: {  	[tilespmem:$0x6ED0] =	vst v0  }
0x188: {  	[tilespmem:$0x6EE0] =	vst v0  }
0x189: {  	[tilespmem:$0x6EF0] =	vst v0  }
0x18a: {  	[tilespmem:$0x7580] =	vst v2  }
0x18b: {  	[tilespmem:$0x7590] =	vst v3  }
0x18c: {  	[tilespmem:$0x75A0] =	vst v4  }
0x18d: {  	s17 =	simm.s32 $0x0;
	[tilespmem:$0x75B0] =	vst v5  }
0x18e: {  	s18 =	simm.s32 $0x0;
	s16 =	simm.s32 $0x10;
	s15 =	simm.s32 $0x0;
	v2 =	vld [tilespmem:s17+$0x0]  }
.LBB2_32:
0x18f: {  	p0 =	sne.s32 s16, $0x670;
	s17 =	sand.u32 $0x70, s17;
	s19 =	sand.u32 $0x3C00, s15  }
0x190: {  	s19 =	sor.u32 s17, s19;
	s17 =	smov.u32 s16  }
0x191: {  	v3 =	vld [tilespmem:s19+$0x3D80];
	_ =	sdelay $0x1  }
.Ltmp15:
0x192: {  	(pc) =	sbr.rel @p0 .LBB2_32-.Ltmp15, $3  }
0x193: {  	_ =	sdelay $0x1  }
0x194: {  	s18 =	sadd.s32 $0x10, s18;
	[tilespmem:v2+s12+$0x0] =	vst.idx.add.f32.msk $0xffff, v3  }
0x195: {  	s15 =	sadd.s32 $0x80, s15;
	s16 =	sadd.s32 $0x10, s16;
	v2 =	vld [tilespmem:s18+$0x0]  }
0x196: {  	_ = 	snop  }
0x197: {  	s16 =	sand.u32 $0x70, s17;
	s15 =	sand.u32 $0x3C00, s15  }
0x198: {  	s15 =	sor.u32 s16, s15  }
0x199: {  	v3 =	vld [tilespmem:s15+$0x3D80];
	_ =	sdelay $0x4  }
0x19a: {  	[tilespmem:v2+s12+$0x0] =	vst.idx.add.f32.msk $0xffff, v3  }
0x19b: {  	v2 =	vld [tilespmem:$0x6E80];
	[tilespmem:$0x6E80] =	vst v0  }
0x19c: {  	v3 =	vld [tilespmem:$0x6E90];
	[tilespmem:$0x6E90] =	vst v0  }
0x19d: {  	v4 =	vld [tilespmem:$0x6EA0];
	[tilespmem:$0x6EA0] =	vst v0  }
0x19e: {  	v5 =	vld [tilespmem:$0x6EB0];
	[tilespmem:$0x6EB0] =	vst v0  }
0x19f: {  	[tilespmem:$0x6EC0] =	vst v0  }
0x1a0: {  	[tilespmem:$0x6ED0] =	vst v0  }
0x1a1: {  	[tilespmem:$0x6EE0] =	vst v0  }
0x1a2: {  	[tilespmem:$0x6EF0] =	vst v0  }
0x1a3: {  	[tilespmem:$0x7600] =	vst v2  }
0x1a4: {  	[tilespmem:$0x7610] =	vst v3  }
0x1a5: {  	[tilespmem:$0x7620] =	vst v4  }
0x1a6: {  	s17 =	simm.s32 $0x0;
	[tilespmem:$0x7630] =	vst v5  }
0x1a7: {  	s18 =	simm.s32 $0x0;
	s16 =	simm.s32 $0x10;
	s15 =	simm.s32 $0x0;
	v2 =	vld [tilespmem:s17+$0x0]  }
.LBB2_34:
0x1a8: {  	p0 =	sne.s32 s16, $0x670;
	s17 =	sand.u32 $0x70, s17;
	s19 =	sand.u32 $0x3C00, s15  }
0x1a9: {  	s19 =	sor.u32 s17, s19;
	s17 =	smov.u32 s16  }
0x1aa: {  	v3 =	vld [tilespmem:s19+$0x3E00];
	_ =	sdelay $0x1  }
.Ltmp16:
0x1ab: {  	(pc) =	sbr.rel @p0 .LBB2_34-.Ltmp16, $3  }
0x1ac: {  	_ =	sdelay $0x1  }
0x1ad: {  	s18 =	sadd.s32 $0x10, s18;
	[tilespmem:v2+s12+$0x0] =	vst.idx.add.f32.msk $0xffff, v3  }
0x1ae: {  	s15 =	sadd.s32 $0x80, s15;
	s16 =	sadd.s32 $0x10, s16;
	v2 =	vld [tilespmem:s18+$0x0]  }
0x1af: {  	_ = 	snop  }
0x1b0: {  	s16 =	sand.u32 $0x70, s17;
	s15 =	sand.u32 $0x3C00, s15  }
0x1b1: {  	s15 =	sor.u32 s16, s15  }
0x1b2: {  	v3 =	vld [tilespmem:s15+$0x3E00];
	_ =	sdelay $0x4  }
0x1b3: {  	[tilespmem:v2+s12+$0x0] =	vst.idx.add.f32.msk $0xffff, v3  }
0x1b4: {  	v2 =	vld [tilespmem:$0x6E80]  }
0x1b5: {  	v3 =	vld [tilespmem:$0x6E90]  }
0x1b6: {  	v4 =	vld [tilespmem:$0x6EA0]  }
0x1b7: {  	v5 =	vld [tilespmem:$0x6EB0]  }
0x1b8: {  	v6 =	vld [tilespmem:$0x7B00]  }
0x1b9: {  	v63 =	vld [tilespmem:$0x7B30];
	[tilespmem:$0x7680] =	vst v2  }
0x1ba: {  	v2 =	vld [tilespmem:$0x7B10];
	[tilespmem:$0x7690] =	vst v3  }
0x1bb: {  	v3 =	vld [tilespmem:$0x7B20];
	[tilespmem:$0x76A0] =	vst v4  }
0x1bc: {  	[tilespmem:$0x76B0] =	vst v5  }
0x1bd: {  	[tilespmem:$0x7700] =	vst v6  }
0x1be: {  	s14 =	sadd.s32 $0x1, s14;
	[tilespmem:$0x7730] =	vst v63  }
0x1bf: {  	p0 =	sne.s32 s14, s6;
	[tilespmem:$0x7710] =	vst v2  }
.Ltmp17:
0x1c0: {  	[tilespmem:$0x7720] =	vst v3;
	(pc) =	sbr.rel @p0 .LBB2_1-.Ltmp17, $4  }
0x1c1: {  	[hbm4b:s5+s2] =	stream.linear.scatter [tilespmem:s13], [sflag:$0x1], $0x880, $0x38;
	[tilespmem:$0x7B80] =	vst v63  }
0x1c2: {  	_ =	swait.ge [sflag:s7], $0x880  }
0x1c3: {  	[sflag:s7] =	ssyncset.done $0x0  }
0x1c4: {  	[sflag:s7] =	ssyncadd.s32 $0xFFFFF780  }
0x1c5: {  	_ =	sfence.sel $0x180000  }
0x1c6: {  	[bflag:$0x0] =	sbarrier.arrive $0xFFFF  }
0x1c7: {  	p0 =	sne.s32 s0, $0x0;
	_ =	strace $0x9000004A  }
0x1c8: {  	s0 =	sadd.s32 @!p0 $0x100000, s1;
	[bflag:$0x2] =	sbarrier.arrive $0xFFFF  }
0x1c9: {  	[sflag:s0] =	ssyncadd.tile.s32 @!p0 $0x1;
	_ =	shalt  }
.Lfunc_end2:
_tile_overlayer_lowered:
.L_overlay_start_2:
0x1ca: {  	(tag) =	ssettag $0x2  }
0x1cb: {  	s0 =	rddreg [dreg:$0x0];
	s2 =	stileid.u32  }
0x1cc: {  	s1 =	rddreg [dreg:$0x1];
	p0 =	sne.s32 s2, $0x0  }
0x1cd: {  	s3 =	rddreg [dreg:$0x2];
	[bflag:$0x3] =	sbarrier.arrive $0xFFFF;
	s2 =	simm.s32 @!p0 $0x1C01  }
0x1ce: {  	[timem:s3], [sflag:s2] =	dma.local @!p0 [hbm:s0], s1  }
0x1cf: {  	s0 =	simm.s32 @!p0 $0x1  }
0x1d0: {  	_ =	swait.ge @!p0 [sflag:s0], s1  }
0x1d1: {  	s1 =	ssub.s32 @!p0 $0x0, s1;
	[sflag:s0] =	ssyncset.done @!p0 $0x0  }
0x1d2: {  	[sflag:s0] =	ssyncadd.s32 @!p0 s1  }
0x1d3: {  	[bflag:$0x3] =	sbarrier.arrive $0xFFFF  }
0x1d4: {  	_ =	shalt  }

// kernel: sparse-core-data-format-call.cloned.1.call-start
scs
called_computation_lowered:
.L_overlay_start_0:
0x0: {  	s1 =	sld [smem:$0x3FD9]  }
0x1: {  	s2 =	sld [smem:$0x3FFE];
	_ =	sdelay $0x1  }
0x2: {  	s3 =	srdreg.scid  }
0x3: {  	s0 =	sand.u32 $0x1, s3  }
0x4: {  	s17 =	sshll.u32 s0, $0xA;
	s1 =	sadd.s32 s2, s1  }
0x5: {  	s1 =	sadd.s32 s1, s17  }
0x6: {  	[smem:$0x3FC6] =	sst s1  }
0x7: {  	_ = 	snop  }
0x8: {  	(tm) =	ssettm $0x1  }
0x9: {  	s18 =	sld [smem:$0x3FFB];
	_ =	sdelay $0x3  }
0xa: {  	_ =	strace s18  }
0xb: {  	s1 =	sld [smem:$0x3FFC];
	_ =	sdelay $0x3  }
0xc: {  	_ =	strace s1  }
0xd: {  	s1 =	sld [smem:$0x3FFD];
	_ =	sdelay $0x3  }
0xe: {  	_ =	strace s1  }
0xf: {  	_ =	strace $0x8FFFFFFF  }
0x10: {  	s19 =	sld [smem:$0x3FDB];
	_ =	sdelay $0x1  }
0x11: {  	s20 =	simm.s32 $_scs_section_size  }
0x12: {  	s4 =	simm.s32 $_size__tile_overlayer_lowered;
	s5 =	simm.s32 $_tile_overlayer_lowered  }
0x13: {  	s23 =	simm.s32 $0x1BFF;
	s22 =	sshll.u32 s5, $0x1;
	s1 =	sadd.s32 s20, s19  }
0x14: {  	s6 =	simm.s32 $0x0;
	s21 =	sshll.u32 s4, $0x1;
	s4 =	sadd.s32 s22, s1  }
0x15: {  	[timem:s6], [sflag:s23] =	dma.local [hbm:s4], s21  }
0x16: {  	_ =	swait.ge [sflag:s23], s21  }
0x17: {  	s2 =	ssub.s32 $0x0, s21;
	[sflag:s23] =	ssyncset.done $0x0  }
0x18: {  	[sflag:s23] =	ssyncadd.s32 s2;
	_ =	sdelay $0x1  }
0x19: {  	s24 =	simm.s32 $0x1B8B  }
0x1a: {  	_ =	swait.ge [sflag:s24], $0x1  }
0x1b: {  	[sflag:s24] =	ssyncset.done $0x0  }
0x1c: {  	s26 =	simm.s32 $0x1B8E;
	s25 =	sld [smem:$0x3FFE];
	[sflag:s24] =	ssyncadd.s32 $0xFFFFFFFF  }
0x1d: {  	s27 =	simm.s32 $execute0_lowered;
	[smem:$0x3FD2] =	sst s26  }
0x1e: {  	s4 =	sshll.u32 s27, $0x1;
	_ =	strace $0x80000046;
	[dreg:$0x1] =	wrdreg $0xFFFFFFFF  }
0x1f: {  	s28 =	simm.s32 $_size_execute0_lowered;
	s1 =	sadd.s32 s1, s4;
	[dreg:$0x0] =	wrdreg $0x0  }
0x20: {  	s4 =	sshll.u32 s28, $0x1;
	[dreg:$0x2] =	wrdreg s1  }
0x21: {  	[dreg:$0x3] =	wrdreg s4  }
0x22: {  	[dreg:$0x4] =	wrdreg $0xC0  }
0x23: {  	_ =	task [dreg:s6], $0x5FFFF  }
0x24: {  	[dreg:$0x1] =	wrdreg $0xFFFFFFFF  }
0x25: {  	[dreg:$0x0] =	wrdreg $0x60  }
0x26: {  	[dreg:$0x2] =	wrdreg s25  }
0x27: {  	[dreg:$0x3] =	wrdreg $0x9  }
0x28: {  	_ =	task.clear_ibuf [dreg:s6], $0x4FFFF;
	_ =	strace $0x90000046  }
0x29: {  	s29 =	simm.s32 $0x9;
	_ =	strace $0x80000048  }
0x2a: {  	_ =	swait.ge [sflag:s29], $0x1  }
0x2b: {  	[sflag:s29] =	ssyncadd.s32 $0xFFFFFFFF  }
0x2c: {  	_ =	strace $0x90000048  }
0x2d: {  	_ =	sfence  }
0x2e: {  	s30 =	sld [smem:$0x0];
	_ =	sdelay $0x2  }
0x2f: {  	s31 =	sshll.u32 s3, $0xD;
	s3 =	sshrl.u32 s3, $0x2  }
0x30: {  	s2 =	sand.u32 $0x4000, s31;
	s1 =	sadd.s32 s3, s30  }
0x31: {  	s0 =	sor.u32 s2, s0;
	s1 =	sshll.u32 s1, $0x11  }
0x32: {  	s0 =	sor.u32 s1, s0  }
0x33: {  	s0 =	sadd.s32 $0x8F2B, s0  }
0x34: {  	[sflag:s0] =	ssyncadd.remote.s32 $0x1  }
0x35: {  	_ =	sfence.sel $0xFFFF  }
0x36: {  	[dreg:$0x0] =	wrdreg $0xFFFFFFFF;
	(pc) =	sbr.abs _section_cstart, $3  }
0x37: {  	[dreg:$0x1] =	wrdreg $0xFFFFFFFF  }
0x38: {  	_ =	task.clear_ibuf [dreg:s6], $0x2FFFF;
	_ =	strace $0x9FFFFFFF  }
0x39: {  	(tm) =	ssettm $0x7FFFFFFF  }
tec
execute0_lowered:
.L_overlay_start_1:
0x0: {  	(tag) =	ssettag $0x1  }
0x1: {  	s0 =	srdreg.scid  }
0x2: {  	s2 =	stileid.u32;
	s1 =	rddreg [dreg:$0x0];
	_ =	strace $0x80000047  }
0x3: {  	s5 =	simm.s32 $0x1;
	s3 =	simm.s32 $0x2;
	s31 =	simm.s32 $0x0  }
0x4: {  	s30 =	simm.s32 $0x0;
	s27 =	simm.s32 $0x0;
	s28 =	simm.s32 $0x0  }
0x5: {  	s29 =	simm.s32 $0x0;
	s0 =	sshll.u32 s0, $0x4;
	s22 =	sadd.s32 $0xA00, s1  }
0x6: {  	s4 =	sadd.s32 $0x1E9600, s1;
	s6 =	sadd.s32 $0x1F2C0, s1;
	s24 =	sadd.s32 $0x3DB80, s1  }
0x7: {  	s25 =	sadd.s32 $0x5C440, s1;
	s26 =	sadd.s32 $0x7AD00, s1;
	s10 =	sadd.s32 $0x995C0, s1  }
0x8: {  	s11 =	sadd.s32 $0xB7E80, s1;
	s12 =	sadd.s32 $0xD6740, s1;
	s13 =	sadd.s32 $0xF5000, s1  }
0x9: {  	[sflag:s5] =	ssyncpa.u1 $0x0;
	s14 =	sadd.s32 $0x1138C0, s1;
	s15 =	sadd.s32 $0x132180, s1  }
0xa: {  	s16 =	sadd.s32 $0x150A40, s1;
	s18 =	sadd.s32 $0x16F300, s1;
	s0 =	sand.u32 $0x10, s0  }
0xb: {  	s19 =	sadd.s32 $0x18DBC0, s1;
	[dreg:$0x2] =	wrdreg s22;
	s0 =	sor.u32 s2, s0  }
0xc: {  	s20 =	sadd.s32 $0x1AC480, s1;
	[dreg:$0x3] =	wrdreg s6;
	s2 =	sshll.u32 s0, $0x7  }
.Ltmp0:
0xd: {  	[dreg:$0x4] =	wrdreg s24;
	s23 =	ssub.s32 $0xC300, s2;
	(pc) =	sbr.rel .LBB1_1-.Ltmp0, $4  }
0xe: {  	s21 =	sadd.s32 $0x1CAD40, s1;
	[dreg:$0x5] =	wrdreg s25;
	s0 =	sshrl.u32 s23, $0xC  }
0xf: {  	s1 =	simm.s32 $0x0;
	[dreg:$0x6] =	wrdreg s26;
	s0 =	smul.u32 $0x5, s0  }
0x10: {  	[sflag:s3] =	ssyncpa.u1 $0x0;
	s25 =	simm.s32 $0x0;
	s26 =	smov.u32 s2  }
0x11: {  	s23 =	simm.s32 $0xC380;
	s17 =	sadd.s32 $0x5, s0;
	s22 =	sadd.s32 $0x6, s0  }
.LBB1_9:
0x12: {  	s0 =	sadd.s32 $0x1000, s26  }
0x13: {  	s1 =	sadd.s32 $0x4, s27;
	s3 =	smov.u32 s27;
	p1 =	sgt.s32 s0, $0xC34F  }
0x14: {  	s3 =	smov.u32 @p1 s1  }
0x15: {  	s7 =	smov.u32 s28;
	s1 =	sadd.s32 $0x10, s28;
	p2 =	sgt.s32 s3, $0x13  }
0x16: {  	s7 =	smov.u32 @p2 s1  }
0x17: {  	s0 =	smov.u32 @p1 s2;
	p1 =	sgt.s32 s7, $0xF  }
0x18: {  	p0 =	slt.u32 s29, $0x2;
	s7 =	simm.s32 @p1 $0x0;
	p1 =	sne.s32 s29, s22  }
.Ltmp1:
0x19: {  	s6 =	simm.s32 @!p0 $0x2;
	(pc) =	sbr.rel @!p1 .LBB1_10-.Ltmp1, $4  }
0x1a: {  	s31 =	smov.u32 s26;
	s30 =	smov.u32 s28;
	_ =	swait.ge @!p0 [sflag:s6], $0x2000  }
0x1b: {  	s25 =	sadd.s32 $0x2000, s25;
	[sflag:s6] =	ssyncset.done @!p0 $0x0;
	s26 =	smov.u32 s0  }
0x1c: {  	s3 =	simm.s32 @p2 $0x0;
	s1 =	smov.u32 s27;
	[sflag:s6] =	ssyncadd.s32 @!p0 $0xFFFFE000  }
0x1d: {  	s27 =	smov.u32 s3;
	s29 =	sadd.s32 $0x1, s29;
	s28 =	smov.u32 s7  }
.LBB1_1:
0x1e: {  	p0 =	sge.u32 s29, s17  }
.Ltmp2:
0x1f: {  	_ = 	snop;
	(pc) =	sbr.rel @p0 .LBB1_3-.Ltmp2, $1  }
0x20: {  	_ =	sdelay $0x3  }
0x21: {  	s0 =	smulhi.u32 $0xA79C7B17, s26;
	_ =	sdelay $0x1  }
0x22: {  	s0 =	sshrl.u32 s0, $0xF  }
0x23: {  	s3 =	smul.u32 $0xC380, s0  }
0x24: {  	s6 =	sxor.u32 $0xFFFFFFFF, s29;
	s0 =	smul.u32 $0x1E8C0, s28  }
0x25: {  	s24 =	smul.u32 $0x1870, s27;
	s7 =	rddreg [dreg:$0x2];
	s3 =	ssub.s32 s26, s3  }
0x26: {  	s6 =	sshll.u32 s6, $0xD;
	s7 =	sadd.s32 s7, s0;
	s8 =	sand.u32 $0x7, s3  }
0x27: {  	s3 =	sshrl.u32 s3, $0x3;
	s7 =	sadd.s32 s24, s7;
	s8 =	sshll.u32 s8, $0x12  }
0x28: {  	s6 =	sand.u32 $0x2000, s6;
	s9 =	sadd.s32 s3, s7;
	s7 =	sor.u32 $0x80, s8  }
0x29: {  	[tilespmem:s6], [sflag:$0x1] =	stream.strided.gather [hbm4b:s9+s7], $0x200, s23, s7, $0x38;
	[tilespmem:$0x8000] =	vst v63  }
0x2a: {  	s9 =	rddreg [dreg:$0x3]  }
0x2b: {  	s8 =	sadd.s32 s0, s9  }
0x2c: {  	s8 =	sadd.s32 s24, s8  }
0x2d: {  	s9 =	sor.u32 $0x200, s6;
	s8 =	sadd.s32 s3, s8  }
0x2e: {  	[tilespmem:s9], [sflag:$0x1] =	stream.strided.gather [hbm4b:s8+s7], $0x200, s23, s7, $0x38;
	[tilespmem:$0x8000] =	vst v63  }
0x2f: {  	s9 =	rddreg [dreg:$0x4]  }
0x30: {  	s8 =	sadd.s32 s0, s9  }
0x31: {  	s8 =	sadd.s32 s24, s8  }
0x32: {  	s9 =	sor.u32 $0x400, s6;
	s8 =	sadd.s32 s3, s8  }
0x33: {  	[tilespmem:s9], [sflag:$0x1] =	stream.strided.gather [hbm4b:s8+s7], $0x200, s23, s7, $0x38;
	[tilespmem:$0x8000] =	vst v63  }
0x34: {  	s9 =	rddreg [dreg:$0x5]  }
0x35: {  	s8 =	sadd.s32 s0, s9  }
0x36: {  	s8 =	sadd.s32 s24, s8  }
0x37: {  	s9 =	sor.u32 $0x600, s6;
	s8 =	sadd.s32 s3, s8  }
0x38: {  	[tilespmem:s9], [sflag:$0x1] =	stream.strided.gather [hbm4b:s8+s7], $0x200, s23, s7, $0x38;
	[tilespmem:$0x8000] =	vst v63  }
0x39: {  	s9 =	rddreg [dreg:$0x6]  }
0x3a: {  	s8 =	sadd.s32 s0, s9  }
0x3b: {  	s8 =	sadd.s32 s24, s8  }
0x3c: {  	s9 =	sor.u32 $0x800, s6;
	s8 =	sadd.s32 s3, s8  }
0x3d: {  	[tilespmem:s9], [sflag:$0x1] =	stream.strided.gather [hbm4b:s8+s7], $0x200, s23, s7, $0x38;
	[tilespmem:$0x8000] =	vst v63  }
0x3e: {  	s9 =	sadd.s32 s0, s10  }
0x3f: {  	s8 =	sadd.s32 s24, s9  }
0x40: {  	s9 =	sor.u32 $0xA00, s6;
	s8 =	sadd.s32 s3, s8  }
0x41: {  	[tilespmem:s9], [sflag:$0x1] =	stream.strided.gather [hbm4b:s8+s7], $0x200, s23, s7, $0x38;
	[tilespmem:$0x8000] =	vst v63  }
0x42: {  	s9 =	sadd.s32 s0, s11  }
0x43: {  	s8 =	sadd.s32 s24, s9  }
0x44: {  	s9 =	sor.u32 $0xC00, s6;
	s8 =	sadd.s32 s3, s8  }
0x45: {  	[tilespmem:s9], [sflag:$0x1] =	stream.strided.gather [hbm4b:s8+s7], $0x200, s23, s7, $0x38;
	[tilespmem:$0x8000] =	vst v63  }
0x46: {  	s9 =	sadd.s32 s0, s12  }
0x47: {  	s8 =	sadd.s32 s24, s9  }
0x48: {  	s9 =	sor.u32 $0xE00, s6;
	s8 =	sadd.s32 s3, s8  }
0x49: {  	[tilespmem:s9], [sflag:$0x1] =	stream.strided.gather [hbm4b:s8+s7], $0x200, s23, s7, $0x38;
	[tilespmem:$0x8000] =	vst v63  }
0x4a: {  	s9 =	sadd.s32 s0, s13  }
0x4b: {  	s8 =	sadd.s32 s24, s9  }
0x4c: {  	s9 =	sor.u32 $0x1000, s6;
	s8 =	sadd.s32 s3, s8  }
0x4d: {  	[tilespmem:s9], [sflag:$0x1] =	stream.strided.gather [hbm4b:s8+s7], $0x200, s23, s7, $0x38;
	[tilespmem:$0x8000] =	vst v63  }
0x4e: {  	s9 =	sadd.s32 s0, s14  }
0x4f: {  	s8 =	sadd.s32 s24, s9  }
0x50: {  	s9 =	sor.u32 $0x1200, s6;
	s8 =	sadd.s32 s3, s8  }
0x51: {  	[tilespmem:s9], [sflag:$0x1] =	stream.strided.gather [hbm4b:s8+s7], $0x200, s23, s7, $0x38;
	[tilespmem:$0x8000] =	vst v63  }
0x52: {  	s9 =	sadd.s32 s0, s15  }
0x53: {  	s8 =	sadd.s32 s24, s9  }
0x54: {  	s9 =	sor.u32 $0x1400, s6;
	s8 =	sadd.s32 s3, s8  }
0x55: {  	[tilespmem:s9], [sflag:$0x1] =	stream.strided.gather [hbm4b:s8+s7], $0x200, s23, s7, $0x38;
	[tilespmem:$0x8000] =	vst v63  }
0x56: {  	s9 =	sadd.s32 s0, s16  }
0x57: {  	s8 =	sadd.s32 s24, s9  }
0x58: {  	s9 =	sor.u32 $0x1600, s6;
	s8 =	sadd.s32 s3, s8  }
0x59: {  	[tilespmem:s9], [sflag:$0x1] =	stream.strided.gather [hbm4b:s8+s7], $0x200, s23, s7, $0x38;
	[tilespmem:$0x8000] =	vst v63  }
0x5a: {  	s9 =	sadd.s32 s0, s18  }
0x5b: {  	s8 =	sadd.s32 s24, s9  }
0x5c: {  	s9 =	sor.u32 $0x1800, s6;
	s8 =	sadd.s32 s3, s8  }
0x5d: {  	[tilespmem:s9], [sflag:$0x1] =	stream.strided.gather [hbm4b:s8+s7], $0x200, s23, s7, $0x38;
	[tilespmem:$0x8000] =	vst v63  }
0x5e: {  	s9 =	sadd.s32 s0, s19  }
0x5f: {  	s8 =	sadd.s32 s24, s9  }
0x60: {  	s9 =	sor.u32 $0x1A00, s6;
	s8 =	sadd.s32 s3, s8  }
0x61: {  	[tilespmem:s9], [sflag:$0x1] =	stream.strided.gather [hbm4b:s8+s7], $0x200, s23, s7, $0x38;
	[tilespmem:$0x8000] =	vst v63  }
0x62: {  	s9 =	sadd.s32 s0, s20  }
0x63: {  	s0 =	sadd.s32 s0, s21;
	s8 =	sadd.s32 s24, s9  }
0x64: {  	s9 =	sor.u32 $0x1C00, s6;
	s0 =	sadd.s32 s24, s0;
	s8 =	sadd.s32 s3, s8  }
0x65: {  	[tilespmem:s9], [sflag:$0x1] =	stream.strided.gather [hbm4b:s8+s7], $0x200, s23, s7, $0x38;
	[tilespmem:$0x8000] =	vst v63  }
0x66: {  	s24 =	sor.u32 $0x1E00, s6;
	s0 =	sadd.s32 s3, s0  }
0x67: {  	[tilespmem:s24], [sflag:$0x1] =	stream.strided.gather [hbm4b:s0+s7], $0x200, s23, s7, $0x38;
	[tilespmem:$0x8000] =	vst v63  }
.LBB1_3:
0x68: {  	p0 =	seq.s32 s29, $0x0  }
0x69: {  	p1 =	sge.u32 @!p0 s29, s22  }
0x6a: {  	p0 =	por p0, p1  }
.Ltmp3:
0x6b: {  	_ = 	snop;
	(pc) =	sbr.rel @p0 .LBB1_9-.Ltmp3, $1  }
0x6c: {  	_ =	sdelay $0x3  }
0x6d: {  	s0 =	sand.u32 $0x2000, s25  }
0x6e: {  	_ =	swait.ge [sflag:s5], $0x2000;
	s6 =	sshll.u32 s29, $0xD;
	s24 =	sor.u32 $0x70, s0  }
0x6f: {  	s3 =	sor.u32 $0x4040, s0;
	[sflag:s5] =	ssyncset.done $0x0;
	s9 =	sand.u32 $0x2000, s6  }
0x70: {  	s6 =	simm.s32 $0x0;
	[sflag:s5] =	ssyncadd.s32 $0xFFFFE000;
	s0 =	sor.u32 $0x4000, s9  }
.LBB1_5:
0x71: {  	v1 =	vmov s24;
	_ =	sdelay $0x3  }
0x72: {  	s7 =	simm.s32 $0x0  }
0x73: {  	v7 =	vld.idx.msk [tilespmem:v1+s7+$0x0 ss:$0x1], $0xffff  }
0x74: {  	v0 =	vmov s3;
	v8 =	vld.idx.msk [tilespmem:v1+s7+$0xFFFFFF90 ss:$0x1], $0xffff  }
0x75: {  	v6 =	vld.idx.msk [tilespmem:v1+s7+$0xFFFFFFA0 ss:$0x1], $0xffff  }
0x76: {  	v5 =	vld.idx.msk [tilespmem:v1+s7+$0xFFFFFFB0 ss:$0x1], $0xffff  }
0x77: {  	v4 =	vld.idx.msk [tilespmem:v1+s7+$0xFFFFFFC0 ss:$0x1], $0xffff  }
0x78: {  	v2 =	vld.idx.msk [tilespmem:v1+s7+$0xFFFFFFD0 ss:$0x1], $0xffff  }
0x79: {  	v3 =	vld.idx.msk [tilespmem:v1+s7+$0xFFFFFFE0 ss:$0x1], $0xffff;
	[tilespmem:v0+s7+$0x30 ss:$0x1] =	vst.idx.msk $0xffff, v7  }
0x7a: {  	s8 =	simm.s32 $0x80;
	s9 =	simm.s32 $0x400;
	[tilespmem:v0+s7+$0xFFFFFFC0 ss:$0x1] =	vst.idx.msk $0xffff, v8;
	v7 =	vld.idx.msk [tilespmem:v1+s7+$0xFFFFFFF0 ss:$0x1], $0xffff  }
.LBB1_6:
0x7b: {  	p0 =	sne.s32 s9, $0x600;
	v8 =	vld.idx.msk [tilespmem:v1+s8+$0x0 ss:$0x1], $0xffff;
	[tilespmem:v0+s7+$0xFFFFFFD0 ss:$0x1] =	vst.idx.msk $0xffff, v6  }
0x7c: {  	v9 =	vld.idx.msk [tilespmem:v1+s8+$0xFFFFFF90 ss:$0x1], $0xffff;
	[tilespmem:v0+s7+$0xFFFFFFE0 ss:$0x1] =	vst.idx.msk $0xffff, v5  }
0x7d: {  	v6 =	vld.idx.msk [tilespmem:v1+s8+$0xFFFFFFA0 ss:$0x1], $0xffff;
	[tilespmem:v0+s7+$0xFFFFFFF0 ss:$0x1] =	vst.idx.msk $0xffff, v4  }
.Ltmp4:
0x7e: {  	v5 =	vld.idx.msk [tilespmem:v1+s8+$0xFFFFFFB0 ss:$0x1], $0xffff;
	[tilespmem:v0+s7+$0x0 ss:$0x1] =	vst.idx.msk $0xffff, v2;
	(pc) =	sbr.rel @p0 .LBB1_6-.Ltmp4, $4  }
0x7f: {  	v4 =	vld.idx.msk [tilespmem:v1+s8+$0xFFFFFFC0 ss:$0x1], $0xffff;
	[tilespmem:v0+s7+$0x10 ss:$0x1] =	vst.idx.msk $0xffff, v3  }
0x80: {  	v2 =	vld.idx.msk [tilespmem:v1+s8+$0xFFFFFFD0 ss:$0x1], $0xffff;
	[tilespmem:v0+s7+$0x20 ss:$0x1] =	vst.idx.msk $0xffff, v7;
	s7 =	smov.u32 s8  }
0x81: {  	v3 =	vld.idx.msk [tilespmem:v1+s7+$0xFFFFFFE0 ss:$0x1], $0xffff;
	[tilespmem:v0+s7+$0x30 ss:$0x1] =	vst.idx.msk $0xffff, v8  }
0x82: {  	s8 =	sshra.s32 s9, $0x2;
	s9 =	sadd.s32 $0x200, s9;
	[tilespmem:v0+s7+$0xFFFFFFC0 ss:$0x1] =	vst.idx.msk $0xffff, v9;
	v7 =	vld.idx.msk [tilespmem:v1+s7+$0xFFFFFFF0 ss:$0x1], $0xffff  }
0x83: {  	_ =	sdelay $0x3  }
0x84: {  	[tilespmem:v0+s7+$0xFFFFFFD0 ss:$0x1] =	vst.idx.msk $0xffff, v6  }
0x85: {  	v56 =	vld.idx.msk [tilespmem:v1+s8+$0x0 ss:$0x1], $0xffff;
	[tilespmem:v0+s7+$0xFFFFFFE0 ss:$0x1] =	vst.idx.msk $0xffff, v5  }
0x86: {  	v57 =	vld.idx.msk [tilespmem:v1+s8+$0xFFFFFF90 ss:$0x1], $0xffff;
	[tilespmem:v0+s7+$0xFFFFFFF0 ss:$0x1] =	vst.idx.msk $0xffff, v4  }
0x87: {  	v58 =	vld.idx.msk [tilespmem:v1+s8+$0xFFFFFFA0 ss:$0x1], $0xffff;
	[tilespmem:v0+s7+$0x0 ss:$0x1] =	vst.idx.msk $0xffff, v2  }
0x88: {  	v59 =	vld.idx.msk [tilespmem:v1+s8+$0xFFFFFFB0 ss:$0x1], $0xffff;
	[tilespmem:v0+s7+$0x10 ss:$0x1] =	vst.idx.msk $0xffff, v3  }
0x89: {  	v60 =	vld.idx.msk [tilespmem:v1+s8+$0xFFFFFFC0 ss:$0x1], $0xffff;
	[tilespmem:v0+s7+$0x20 ss:$0x1] =	vst.idx.msk $0xffff, v7  }
0x8a: {  	v61 =	vld.idx.msk [tilespmem:v1+s8+$0xFFFFFFD0 ss:$0x1], $0xffff;
	[tilespmem:v0+s8+$0x30 ss:$0x1] =	vst.idx.msk $0xffff, v56  }
0x8b: {  	v62 =	vld.idx.msk [tilespmem:v1+s8+$0xFFFFFFE0 ss:$0x1], $0xffff;
	s6 =	sadd.s32 $0x1, s6;
	[tilespmem:v0+s8+$0xFFFFFFC0 ss:$0x1] =	vst.idx.msk $0xffff, v57  }
0x8c: {  	v63 =	vld.idx.msk [tilespmem:v1+s8+$0xFFFFFFF0 ss:$0x1], $0xffff;
	p0 =	sne.s32 s6, $0x10;
	[tilespmem:v0+s8+$0xFFFFFFD0 ss:$0x1] =	vst.idx.msk $0xffff, v58  }
.Ltmp5:
0x8d: {  	[tilespmem:v0+s8+$0xFFFFFFE0 ss:$0x1] =	vst.idx.msk $0xffff, v59;
	(pc) =	sbr.rel @p0 .LBB1_5-.Ltmp5, $4  }
0x8e: {  	[tilespmem:v0+s8+$0xFFFFFFF0 ss:$0x1] =	vst.idx.msk $0xffff, v60  }
0x8f: {  	[tilespmem:v0+s8+$0x0 ss:$0x1] =	vst.idx.msk $0xffff, v61  }
0x90: {  	[tilespmem:v0+s8+$0x10 ss:$0x1] =	vst.idx.msk $0xffff, v62  }
0x91: {  	s24 =	sadd.s32 $0x200, s24;
	s3 =	sadd.s32 $0x200, s3;
	[tilespmem:v0+s8+$0x20 ss:$0x1] =	vst.idx.msk $0xffff, v63  }
0x92: {  	s3 =	sshrl.u32 s1, $0x3  }
0x93: {  	s6 =	sshll.u32 s31, $0x3;
	s3 =	smul.u32 $0x61C00, s3  }
0x94: {  	s8 =	sshll.u32 s1, $0x7;
	s6 =	sand.u32 $0xFFFFFC00, s6  }
0x95: {  	s1 =	sand.u32 $0x380, s8;
	s3 =	sadd.s32 s3, s6  }
0x96: {  	s1 =	sor.u32 s1, s3  }
0x97: {  	s24 =	smulhi.u32 $0xA79C7B17, s1;
	_ =	sdelay $0x1  }
0x98: {  	s9 =	sand.u32 $0x7F, s31;
	s6 =	sshrl.u32 s24, $0xF  }
0x99: {  	s1 =	sor.u32 s9, s1;
	s7 =	smulhi.u32 $0xAAAAAAB, s6  }
0x9a: {  	s3 =	smulhi.u32 $0xA79C7B17, s1  }
0x9b: {  	s7 =	smul.u32 $0x18, s7  }
0x9c: {  	s31 =	smul.u32 $0x24A80, s30;
	s3 =	sshrl.u32 s3, $0xF  }
0x9d: {  	s3 =	smul.u32 $0xC380, s3;
	s6 =	ssub.s32 s6, s7  }
0x9e: {  	s6 =	smul.u32 $0x1870, s6  }
.Ltmp6:
0x9f: {  	s1 =	ssub.s32 s1, s3;
	(pc) =	sbr.rel .LBB1_9-.Ltmp6, $4  }
0xa0: {  	s8 =	sadd.s32 s4, s31;
	s9 =	sand.u32 $0x7, s1  }
0xa1: {  	s1 =	sshrl.u32 s1, $0x3;
	s24 =	sshll.u32 s9, $0x12;
	s3 =	sadd.s32 s6, s8  }
0xa2: {  	s31 =	simm.s32 $0x125400;
	s30 =	sor.u32 $0x200, s24;
	s1 =	sadd.s32 s1, s3  }
0xa3: {  	[hbm4b:s1+s30] =	stream.strided.scatter [tilespmem:s0], [sflag:$0x2], $0x2000, s31, s30, $0x38;
	[tilespmem:$0x8000] =	vst v63  }
.LBB1_10:
0xa4: {  	_ =	sfence.sel $0x180000  }
0xa5: {  	s0 =	simm.s32 $0x1;
	[bflag:$0x0] =	sbarrier.arrive $0xFFFF  }
0xa6: {  	s30 =	simm.s32 $0x2;
	[sflag:s0] =	ssyncpa.u1 $0x1  }
0xa7: {  	[sflag:s30] =	ssyncpa.u1 $0x1  }
0xa8: {  	_ =	strace $0x90000047  }
0xa9: {  	s31 =	stileid.u32;
	[bflag:$0x2] =	sbarrier.arrive $0xFFFF  }
0xaa: {  	p0 =	sne.s32 s31, $0x0;
	s0 =	rddreg [dreg:$0x1]  }
0xab: {  	s0 =	sadd.s32 @!p0 $0x100000, s0  }
0xac: {  	[sflag:s0] =	ssyncadd.tile.s32 @!p0 $0x1;
	_ =	shalt  }
.Lfunc_end1:
_tile_overlayer_lowered:
.L_overlay_start_2:
0xad: {  	(tag) =	ssettag $0x2  }
0xae: {  	s0 =	rddreg [dreg:$0x0];
	s2 =	stileid.u32  }
0xaf: {  	s1 =	rddreg [dreg:$0x1];
	p0 =	sne.s32 s2, $0x0  }
0xb0: {  	s3 =	rddreg [dreg:$0x2];
	[bflag:$0x3] =	sbarrier.arrive $0xFFFF;
	s2 =	simm.s32 @!p0 $0x1C01  }
0xb1: {  	[timem:s3], [sflag:s2] =	dma.local @!p0 [hbm:s0], s1  }
0xb2: {  	s0 =	simm.s32 @!p0 $0x1  }
0xb3: {  	_ =	swait.ge @!p0 [sflag:s0], s1  }
0xb4: {  	s1 =	ssub.s32 @!p0 $0x0, s1;
	[sflag:s0] =	ssyncset.done @!p0 $0x0  }
0xb5: {  	[sflag:s0] =	ssyncadd.s32 @!p0 s1  }
0xb6: {  	[bflag:$0x3] =	sbarrier.arrive $0xFFFF  }
0xb7: {  	_ =	shalt  }

</sc_bundles>
